<compile_context>
chip_gen: v7x
topology: tpu7x:2x2x1
jax: 0.10.2.dev20260603
libtpu: 0.0.44.dev20260713+nightly
codegen_flags: <defaults>
</compile_context>

<pallas_src>
import functools

import jax
import jax.numpy as jnp
from jax import lax
from jax.experimental import pallas as pl
from jax.experimental.pallas import tpu as pltpu
from jax.experimental.pallas import tpu_sc as plsc

N = 10000
NP = 10240
E = 320000
H = 8
C = 16
D = H * C
DP = 68
KC = 40
TILES = 16
ROWS_PT = NP // TILES
E_PT = E // TILES
CHUNKS = E_PT // KC
BN = 2000
GRID = N // BN

_HI = jax.lax.Precision.HIGHEST


def _mm_body(x_ref, w_ref, asd_ref, xlA_ref, xlB_ref, adA_ref, adB_ref):
    x = x_ref[...]
    xl = jnp.dot(x, w_ref[...], precision=_HI, preferred_element_type=jnp.float32)
    sd = jnp.dot(xl, asd_ref[...], precision=_HI, preferred_element_type=jnp.float32)
    xlA_ref[...] = jnp.concatenate([xl[:, 0:64], sd[:, 0:4]], axis=1)
    xlB_ref[...] = jnp.concatenate([xl[:, 64:128], sd[:, 4:8]], axis=1)
    adA_ref[...] = sd[:, 8:12]
    adB_ref[...] = sd[:, 12:16]


def _mm_call(x, W, ASD):
    return pl.pallas_call(
        _mm_body,
        grid=(GRID,),
        in_specs=[
            pl.BlockSpec((BN, D), lambda i: (i, 0)),
            pl.BlockSpec((D, D), lambda i: (0, 0)),
            pl.BlockSpec((D, 16), lambda i: (0, 0)),
        ],
        out_specs=[
            pl.BlockSpec((BN, DP), lambda i: (i, 0)),
            pl.BlockSpec((BN, DP), lambda i: (i, 0)),
            pl.BlockSpec((BN, 4), lambda i: (i, 0)),
            pl.BlockSpec((BN, 4), lambda i: (i, 0)),
        ],
        out_shape=[
            jax.ShapeDtypeStruct((N, DP), jnp.float32),
            jax.ShapeDtypeStruct((N, DP), jnp.float32),
            jax.ShapeDtypeStruct((N, 4), jnp.float32),
            jax.ShapeDtypeStruct((N, 4), jnp.float32),
        ],
    )(x, W, ASD)


def _sc_body(src_hbm, dst_hbm, xlA_hbm, xlB_hbm, adA_hbm, adB_hbm, zin_hbm,
             out_hbm, acc, srcj0, dstj0, msg0, srcj1, dstj1, msg1, adtab,
             gsem0, gsem1):
    cid = lax.axis_index("c")
    sid = lax.axis_index("s")
    r0 = sid * ROWS_PT
    pltpu.sync_copy(zin_hbm.at[pl.ds(r0, ROWS_PT)], acc.at[pl.ds(r0, ROWS_PT)])

    iota = lax.iota(jnp.int32, 16)
    i_div4 = iota // 4
    i_mod4 = iota & 3
    wcols = 64 + i_mod4
    four16 = jnp.full((16,), 4, jnp.int32)
    one16 = jnp.full((16,), 1, jnp.int32)
    bufs = ((srcj0, dstj0, msg0, gsem0), (srcj1, dstj1, msg1, gsem1))

    def run(xl_hbm, ad_hbm):
        pltpu.sync_copy(ad_hbm, adtab)
        plsc.subcore_barrier()
        e_base = sid * E_PT

        def fire(t, b):
            srcj, dstj, msg, gsem = bufs[b]
            eb = e_base + t * KC
            pltpu.sync_copy(src_hbm.at[pl.ds(eb, KC)], srcj)
            pltpu.sync_copy(dst_hbm.at[pl.ds(eb, KC)], dstj)
            pltpu.async_copy(xl_hbm.at[srcj], msg, gsem)

        def drain_compute(b):
            srcj, dstj, msg, gsem = bufs[b]
            pltpu.make_async_copy(xl_hbm.at[srcj], msg, gsem).wait()

            @functools.partial(plsc.parallel_loop, 0, KC // 4, unroll=8)
            def _wgrp(g):
                i0 = i_div4 + g * four16
                nodes = plsc.load_gather(dstj, [i0])
                a_s = plsc.load_gather(msg, [i0, wcols])
                a_d = plsc.load_gather(adtab, [nodes, i_mod4])
                al = a_s + a_d
                al = jnp.where(al >= 0.0, al, 0.2 * al)
                plsc.store_scatter(msg, [i0, wcols], jnp.exp(al))

            @functools.partial(plsc.parallel_loop, 0, KC, unroll=8)
            def _scale(k):
                k16 = one16 * k
                for h in range(4):
                    wv = plsc.load_gather(
                        msg, [k16, jnp.full((16,), 64 + h, jnp.int32)])
                    ch = iota + 16 * h
                    feat = plsc.load_gather(msg, [k16, ch])
                    plsc.store_scatter(msg, [k16, ch], feat * wv)
            pltpu.sync_copy(msg, acc.at[dstj], add=True)

        fire(0, 0)

        def pair(u, carry):
            t0 = 2 * u
            fire(t0 + 1, 1)
            drain_compute(0)

            @pl.when(t0 + 2 < CHUNKS)
            def _():
                fire(t0 + 2, 0)

            drain_compute(1)
            return carry

        lax.fori_loop(0, CHUNKS // 2, pair, 0)

    @pl.when(cid == 0)
    def _():
        run(xlA_hbm, adA_hbm)

    @pl.when(cid == 1)
    def _():
        run(xlB_hbm, adB_hbm)

    plsc.subcore_barrier()
    pltpu.sync_copy(acc.at[pl.ds(r0, ROWS_PT)],
                    out_hbm.at[cid].at[pl.ds(r0, ROWS_PT)])


def _sc_call(src1d, dst1d, xlA, xlB, adA, adB, zin):
    mesh = plsc.VectorSubcoreMesh(core_axis_name="c", subcore_axis_name="s")
    f = functools.partial(
        pl.kernel,
        out_type=jax.ShapeDtypeStruct((2, NP, DP), jnp.float32),
        mesh=mesh,
        compiler_params=pltpu.CompilerParams(
            needs_layout_passes=False, use_tc_tiling_on_sc=False),
        scratch_types=[
            pltpu.VMEM_SHARED((NP, DP), jnp.float32),
            pltpu.VMEM((KC,), jnp.int32),
            pltpu.VMEM((KC,), jnp.int32),
            pltpu.VMEM((KC, DP), jnp.float32),
            pltpu.VMEM((KC,), jnp.int32),
            pltpu.VMEM((KC,), jnp.int32),
            pltpu.VMEM((KC, DP), jnp.float32),
            pltpu.VMEM((N, 4), jnp.float32),
            pltpu.SemaphoreType.DMA,
            pltpu.SemaphoreType.DMA,
        ],
    )(_sc_body)
    return f(src1d, dst1d, xlA, xlB, adA, adB, zin)


def _halves(acc_ref, xlA_ref, xlB_ref, adA_ref, adB_ref, e4):
    outs = []
    for half, (xl_ref, ad_ref) in enumerate(((xlA_ref, adA_ref),
                                             (xlB_ref, adB_ref))):
        acc = acc_ref[half]
        xl = xl_ref[...]
        al = xl[:, 64:68] + ad_ref[...]
        ws = jnp.exp(jnp.where(al >= 0.0, al, 0.2 * al))
        den = acc[:, 64:68] + ws + 1e-16
        wsx = jnp.dot(ws, e4, precision=_HI, preferred_element_type=jnp.float32)
        denx = jnp.dot(den, e4, precision=_HI, preferred_element_type=jnp.float32)
        outs.append((acc[:, 0:64] + wsx * xl[:, 0:64]) / denx)
    return outs


def _f1_body(acc_ref, xlA_ref, xlB_ref, adA_ref, adB_ref, e4_ref, b_ref,
             out_ref):
    outA, outB = _halves(acc_ref, xlA_ref, xlB_ref, adA_ref, adB_ref,
                         e4_ref[...])
    h = jnp.concatenate([outA, outB], axis=1) + b_ref[...]
    out_ref[...] = jnp.where(h > 0.0, h, jnp.exp(jnp.minimum(h, 0.0)) - 1.0)


def _f2_body(acc_ref, xlA_ref, xlB_ref, adA_ref, adB_ref, e4_ref, m4_ref,
             b_ref, out_ref):
    outA, outB = _halves(acc_ref, xlA_ref, xlB_ref, adA_ref, adB_ref,
                         e4_ref[...])
    m4 = m4_ref[...]
    hs = (jnp.dot(outA, m4, precision=_HI, preferred_element_type=jnp.float32)
          + jnp.dot(outB, m4, precision=_HI, preferred_element_type=jnp.float32))
    t = hs * 0.125 + b_ref[...]
    mx = jnp.max(t, axis=1, keepdims=True)
    lse = jnp.log(jnp.sum(jnp.exp(t - mx), axis=1, keepdims=True))
    out_ref[...] = t - mx - lse


def _fin_specs(extra_in, out_w):
    in_specs = [
        pl.BlockSpec((2, BN, DP), lambda i: (0, i, 0)),
        pl.BlockSpec((BN, DP), lambda i: (i, 0)),
        pl.BlockSpec((BN, DP), lambda i: (i, 0)),
        pl.BlockSpec((BN, 4), lambda i: (i, 0)),
        pl.BlockSpec((BN, 4), lambda i: (i, 0)),
        pl.BlockSpec((4, 64), lambda i: (0, 0)),
    ] + extra_in
    return dict(
        grid=(GRID,),
        in_specs=in_specs,
        out_specs=pl.BlockSpec((BN, out_w), lambda i: (i, 0)),
        out_shape=jax.ShapeDtypeStruct((N, out_w), jnp.float32),
    )


def kernel(x, edge_index, W1, att_src1, att_dst1, b1, W2, att_src2, att_dst2,
           b2):
    src1d = edge_index[0].astype(jnp.int32)
    dst1d = edge_index[1].astype(jnp.int32)
    zin = jnp.zeros((NP, DP), jnp.float32)

    onehot = (jnp.arange(H)[None, :] == (jnp.arange(D)[:, None] // C)).astype(
        jnp.float32)
    e4 = (jnp.arange(4)[:, None] == (jnp.arange(64)[None, :] // 16)).astype(
        jnp.float32)
    m4 = (jnp.arange(16)[None, :] == (jnp.arange(64)[:, None] % 16)).astype(
        jnp.float32)

    def asd_of(att_s, att_d):
        a_s = att_s.reshape(D)[:, None] * onehot
        a_d = att_d.reshape(D)[:, None] * onehot
        return jnp.concatenate([a_s, a_d], axis=1)

    xlA, xlB, adA, adB = _mm_call(x, W1, asd_of(att_src1, att_dst1))
    acc = _sc_call(src1d, dst1d, xlA, xlB, adA, adB, zin)[:, :N, :]
    h1 = pl.pallas_call(
        _f1_body,
        **_fin_specs([pl.BlockSpec((1, D), lambda i: (0, 0))], D),
    )(acc, xlA, xlB, adA, adB, e4, b1.reshape(1, D))

    xlA2, xlB2, adA2, adB2 = _mm_call(h1, W2, asd_of(att_src2, att_dst2))
    acc2 = _sc_call(src1d, dst1d, xlA2, xlB2, adA2, adB2, zin)[:, :N, :]
    out = pl.pallas_call(
        _f2_body,
        **_fin_specs([pl.BlockSpec((64, 16), lambda i: (0, 0)),
                      pl.BlockSpec((1, 16), lambda i: (0, 0))], 16),
    )(acc2, xlA2, xlB2, adA2, adB2, e4, m4, b2.reshape(1, 16))
    return out

# --- scband reference (transcript-rebuilt; emitter-appended) ---
"""Pipeline reference for scband-gat-86199993631335 (READ-ONLY COPY).

The authoritative reference and input builder live on the scoring server;
editing this copy changes nothing except your own understanding.
"""

import jax, jax.numpy as jnp
import numpy as np

N_NODES = 10000
N_EDGES = 320000
IN_CH = 128
OUT_CH = 16
HEADS = 8


def setup_inputs(seed: int = 0) -> dict:
    key = jax.random.key(seed)
    ks = jax.random.split(key, 12)
    x = jax.random.normal(ks[0], (N_NODES, IN_CH), dtype=jnp.float32)
    edge_index = jax.random.randint(ks[1], (2, N_EDGES), 0, N_NODES, dtype=jnp.int64)
    # conv1: in=IN_CH, out=OUT_CH per head, heads=HEADS, concat=True
    W1 = jax.random.normal(ks[2], (IN_CH, HEADS * OUT_CH), dtype=jnp.float32) * (1.0 / np.sqrt(IN_CH))
    att_src1 = jax.random.normal(ks[3], (HEADS, OUT_CH), dtype=jnp.float32) * 0.1
    att_dst1 = jax.random.normal(ks[4], (HEADS, OUT_CH), dtype=jnp.float32) * 0.1
    b1 = jnp.zeros((HEADS * OUT_CH,), dtype=jnp.float32)
    # conv2: in=HEADS*OUT_CH, out=OUT_CH per head, heads=HEADS, concat=False (mean)
    W2 = jax.random.normal(ks[5], (HEADS * OUT_CH, HEADS * OUT_CH), dtype=jnp.float32) * (1.0 / np.sqrt(HEADS * OUT_CH))
    att_src2 = jax.random.normal(ks[6], (HEADS, OUT_CH), dtype=jnp.float32) * 0.1
    att_dst2 = jax.random.normal(ks[7], (HEADS, OUT_CH), dtype=jnp.float32) * 0.1
    b2 = jnp.zeros((OUT_CH,), dtype=jnp.float32)
    return {"x": x, "edge_index": edge_index, "W1": W1, "att_src1": att_src1,
            "att_dst1": att_dst1, "b1": b1, "W2": W2, "att_src2": att_src2,
            "att_dst2": att_dst2, "b2": b2}


def _gat_conv(x, edge_index, W, att_src, att_dst, bias, heads, out_ch, concat):
    N = x.shape[0]
    x_l = (x @ W).reshape(N, heads, out_ch)
    alpha_src = (x_l * att_src[None, :, :]).sum(-1)  # [N, H]
    alpha_dst = (x_l * att_dst[None, :, :]).sum(-1)  # [N, H]
    # add self-loops (PyG GATConv default add_self_loops=True)
    loop = jnp.arange(N, dtype=edge_index.dtype)
    src = jnp.concatenate([edge_index[0], loop])
    dst = jnp.concatenate([edge_index[1], loop])
    alpha = alpha_src[src] + alpha_dst[dst]  # [E+N, H]
    alpha = jax.nn.leaky_relu(alpha, 0.2)
    # segment softmax over destination nodes
    amax = jax.ops.segment_max(alpha, dst, num_segments=N)
    alpha = jnp.exp(alpha - amax[dst])
    denom = jax.ops.segment_sum(alpha, dst, num_segments=N)
    alpha = alpha / (denom[dst] + 1e-16)
    msg = x_l[src] * alpha[:, :, None]  # [E+N, H, C]
    out = jax.ops.segment_sum(msg, dst, num_segments=N)  # [N, H, C]
    if concat:
        out = out.reshape(N, heads * out_ch)
    else:
        out = out.mean(axis=1)
    return out + bias


def reference(x, edge_index, W1, att_src1, att_dst1, b1, W2, att_src2, att_dst2, b2):
    # eval mode: dropout layers are identity
    h = _gat_conv(x, edge_index, W1, att_src1, att_dst1, b1, HEADS, OUT_CH, True)
    h = jax.nn.elu(h)
    h = _gat_conv(h, edge_index, W2, att_src2, att_dst2, b2, HEADS, OUT_CH, False)
    return jax.nn.log_softmax(h, axis=1)

if __name__ == "__main__":
    import jax
    _d = setup_inputs()
    print(jax.jit(kernel)(*tuple(_d.values())))

</pallas_src>

<mosaic_0001>
#map = affine_map<(d0, d1) -> (0)>
#map1 = affine_map<(d0, d1) -> (0, 0)>
#map2 = affine_map<(d0, d1) -> (0, 0, 0)>
module attributes {stable_mosaic.version = 14 : i64} {
  func.func @_sc_body(%arg0: i32, %arg1: i32, %arg2: memref<320000xi32, #tpu.memory_space<hbm>>, %arg3: memref<320000xi32, #tpu.memory_space<hbm>>, %arg4: memref<10000x68xf32, #tpu.memory_space<hbm>>, %arg5: memref<10000x68xf32, #tpu.memory_space<hbm>>, %arg6: memref<10000x4xf32, #tpu.memory_space<hbm>>, %arg7: memref<10000x4xf32, #tpu.memory_space<hbm>>, %arg8: memref<10240x68xf32, #tpu.memory_space<hbm>>, %arg9: memref<2x10240x68xf32, #tpu.memory_space<hbm>>, %arg10: memref<10240x68xf32, #tpu.memory_space<vmem_shared>>, %arg11: memref<40xi32, #tpu.memory_space<vmem>>, %arg12: memref<40xi32, #tpu.memory_space<vmem>>, %arg13: memref<40x68xf32, #tpu.memory_space<vmem>>, %arg14: memref<40xi32, #tpu.memory_space<vmem>>, %arg15: memref<40xi32, #tpu.memory_space<vmem>>, %arg16: memref<40x68xf32, #tpu.memory_space<vmem>>, %arg17: memref<10000x4xf32, #tpu.memory_space<vmem>>, %arg18: memref<!tpu.dma_semaphore, #tpu.memory_space<semaphore_mem>>, %arg19: memref<!tpu.dma_semaphore, #tpu.memory_space<semaphore_mem>>) attributes {dimension_semantics = [#tpu.dimension_semantics<core_parallel>, #tpu.dimension_semantics<subcore_parallel>], iteration_bounds = array<i64: 2, 16>, scalar_prefetch = 0 : i64, scratch_operands = 10 : i64, tpu.core_type = #tpu.core_type<sc_vector_subcore>, window_params = [{transform_indices = #map}, {transform_indices = #map}, {transform_indices = #map1}, {transform_indices = #map1}, {transform_indices = #map1}, {transform_indices = #map1}, {transform_indices = #map1}, {transform_indices = #map2}]} {
    %mul3A = arith.constant 640 : i32
    %mul3A_0 = arith.muli %arg1, %mul3A : i32
    "tpu.region"() ({
      %run_scoped3A = tpu.sem_alloc : memref<!tpu.dma_semaphore, #tpu.memory_space<semaphore_mem>>
      %dma_start3A = arith.constant 0 : i32
      %dma_start3A_39 = tpu.memref_slice %arg10[%mul3A_0, %dma_start3A] : memref<10240x68xf32, #tpu.memory_space<vmem_shared>> -> memref<640x68xf32, #tpu.memory_space<vmem_shared>>
      %dma_start3A_40 = arith.constant 0 : i32
      %dma_start3A_41 = tpu.memref_slice %arg8[%mul3A_0, %dma_start3A_40] : memref<10240x68xf32, #tpu.memory_space<hbm>> -> memref<640x68xf32, #tpu.memory_space<hbm>>
      tpu.enqueue_dma source(%dma_start3A_41 : memref<640x68xf32, #tpu.memory_space<hbm>>) target(%dma_start3A_39 : memref<640x68xf32, #tpu.memory_space<vmem_shared>>) target_semaphore(%run_scoped3A : memref<!tpu.dma_semaphore, #tpu.memory_space<semaphore_mem>>)
      %dma_wait3A = arith.constant 0 : i32
      %dma_wait3A_42 = tpu.memref_slice %arg10[%mul3A_0, %dma_wait3A] : memref<10240x68xf32, #tpu.memory_space<vmem_shared>> -> memref<640x68xf32, #tpu.memory_space<vmem_shared>>
      %dma_wait3A_43 = arith.constant 0 : i32
      %dma_wait3A_44 = tpu.memref_slice %arg8[%mul3A_0, %dma_wait3A_43] : memref<10240x68xf32, #tpu.memory_space<hbm>> -> memref<640x68xf32, #tpu.memory_space<hbm>>
      tpu.wait_dma2 semaphore(%run_scoped3A : memref<!tpu.dma_semaphore, #tpu.memory_space<semaphore_mem>>) src(%dma_wait3A_44 : memref<640x68xf32, #tpu.memory_space<hbm>>) dst(%dma_wait3A_42 : memref<640x68xf32, #tpu.memory_space<vmem_shared>>)
      tpu.yield
    }) : () -> ()
    %iota3A = tpu.iota {dimensions = array<i32: 0>} : vector<16xi32>
    %jit3A = arith.constant 4 : i32
    %div3A = vector.broadcast %jit3A : i32 to vector<16xi32>
    %div3A_1 = arith.divsi %iota3A, %div3A : vector<16xi32>
    %sign3A = arith.constant 0 : i32
    %sign3A_2 = vector.broadcast %sign3A : i32 to vector<16xi32>
    %sign3A_3 = arith.cmpi sgt, %iota3A, %sign3A_2 : vector<16xi32>
    %sign3A_4 = arith.extui %sign3A_3 : vector<16xi1> to vector<16xi32>
    %sign3A_5 = arith.constant 0 : i32
    %sign3A_6 = vector.broadcast %sign3A_5 : i32 to vector<16xi32>
    %sign3A_7 = arith.cmpi slt, %iota3A, %sign3A_6 : vector<16xi32>
    %sign3A_8 = arith.extui %sign3A_7 : vector<16xi1> to vector<16xi32>
    %sign3A_9 = arith.subi %sign3A_4, %sign3A_8 : vector<16xi32>
    %sign3A_10 = arith.constant 0 : i32
    %sign3A_11 = arith.cmpi sgt, %jit3A, %sign3A_10 : i32
    %sign3A_12 = arith.extui %sign3A_11 : i1 to i32
    %sign3A_13 = arith.constant 0 : i32
    %sign3A_14 = arith.cmpi slt, %jit3A, %sign3A_13 : i32
    %sign3A_15 = arith.extui %sign3A_14 : i1 to i32
    %sign3A_16 = arith.subi %sign3A_12, %sign3A_15 : i32
    %ne3A = vector.broadcast %sign3A_16 : i32 to vector<16xi32>
    %ne3A_17 = arith.cmpi ne, %sign3A_9, %ne3A : vector<16xi32>
    %rem3A = vector.broadcast %jit3A : i32 to vector<16xi32>
    %rem3A_18 = arith.remsi %iota3A, %rem3A : vector<16xi32>
    %ne3A_19 = arith.constant 0 : i32
    %ne3A_20 = vector.broadcast %ne3A_19 : i32 to vector<16xi32>
    %ne3A_21 = arith.cmpi ne, %rem3A_18, %ne3A_20 : vector<16xi32>
    %and3A = arith.andi %ne3A_17, %ne3A_21 : vector<16xi1>
    %sub3A = arith.constant 1 : i32
    %sub3A_22 = vector.broadcast %sub3A : i32 to vector<16xi32>
    %sub3A_23 = arith.subi %div3A_1, %sub3A_22 : vector<16xi32>
    %select_n3A = arith.select %and3A, %sub3A_23, %div3A_1 : vector<16xi1>, vector<16xi32>
    %and3A_24 = arith.constant 3 : i32
    %and3A_25 = vector.broadcast %and3A_24 : i32 to vector<16xi32>
    %and3A_26 = arith.andi %iota3A, %and3A_25 : vector<16xi32>
    %add3A = arith.constant 64 : i32
    %add3A_27 = vector.broadcast %add3A : i32 to vector<16xi32>
    %add3A_28 = arith.addi %add3A_27, %and3A_26 : vector<16xi32>
    %broadcast_in_dim3A = arith.constant 4 : i32
    %broadcast_in_dim3A_29 = vector.broadcast %broadcast_in_dim3A : i32 to vector<16xi32>
    %broadcast_in_dim3A_30 = arith.constant 1 : i32
    %broadcast_in_dim3A_31 = vector.broadcast %broadcast_in_dim3A_30 : i32 to vector<16xi32>
    %eq3A = arith.constant 0 : i32
    %eq3A_32 = arith.cmpi eq, %arg0, %eq3A : i32
    %convert_element_type3A = arith.extui %eq3A_32 : i1 to i32
    %cond3A = arith.constant 0 : i32
    %cond3A_33 = arith.cmpi ne, %convert_element_type3A, %cond3A : i32
    scf.if %cond3A_33 {
      "tpu.region"() ({
        %run_scoped3A = tpu.sem_alloc : memref<!tpu.dma_semaphore, #tpu.memory_space<semaphore_mem>>
        tpu.enqueue_dma source(%arg6 : memref<10000x4xf32, #tpu.memory_space<hbm>>) target(%arg17 : memref<10000x4xf32, #tpu.memory_space<vmem>>) target_semaphore(%run_scoped3A : memref<!tpu.dma_semaphore, #tpu.memory_space<semaphore_mem>>)
        tpu.wait_dma2 semaphore(%run_scoped3A : memref<!tpu.dma_semaphore, #tpu.memory_space<semaphore_mem>>) src(%arg6 : memref<10000x4xf32, #tpu.memory_space<hbm>>) dst(%arg17 : memref<10000x4xf32, #tpu.memory_space<vmem>>)
        tpu.yield
      }) : () -> ()
      %barrier3A_39 = arith.constant 0 : index
      tpu.barrier barrier_id(%barrier3A_39)
      %mul3A_40 = arith.constant 20000 : i32
      %mul3A_41 = arith.muli %arg1, %mul3A_40 : i32
      %add3A_42 = arith.constant 0 : i32
      %add3A_43 = arith.addi %mul3A_41, %add3A_42 : i32
      "tpu.region"() ({
        %run_scoped3A = tpu.sem_alloc : memref<!tpu.dma_semaphore, #tpu.memory_space<semaphore_mem>>
        %dma_start3A_51 = tpu.memref_slice %arg2[%add3A_43] : memref<320000xi32, #tpu.memory_space<hbm>> -> memref<40xi32, #tpu.memory_space<hbm>>
        %dma_start3A_52 = tpu.memref_slice %arg2[%add3A_43] : memref<320000xi32, #tpu.memory_space<hbm>> -> memref<40xi32, #tpu.memory_space<hbm>>
        tpu.enqueue_dma source(%dma_start3A_52 : memref<40xi32, #tpu.memory_space<hbm>>) target(%arg11 : memref<40xi32, #tpu.memory_space<vmem>>) target_semaphore(%run_scoped3A : memref<!tpu.dma_semaphore, #tpu.memory_space<semaphore_mem>>)
        %dma_wait3A = tpu.memref_slice %arg2[%add3A_43] : memref<320000xi32, #tpu.memory_space<hbm>> -> memref<40xi32, #tpu.memory_space<hbm>>
        %dma_wait3A_53 = tpu.memref_slice %arg2[%add3A_43] : memref<320000xi32, #tpu.memory_space<hbm>> -> memref<40xi32, #tpu.memory_space<hbm>>
        tpu.wait_dma2 semaphore(%run_scoped3A : memref<!tpu.dma_semaphore, #tpu.memory_space<semaphore_mem>>) src(%dma_wait3A_53 : memref<40xi32, #tpu.memory_space<hbm>>) dst(%arg11 : memref<40xi32, #tpu.memory_space<vmem>>)
        tpu.yield
      }) : () -> ()
      "tpu.region"() ({
        %run_scoped3A = tpu.sem_alloc : memref<!tpu.dma_semaphore, #tpu.memory_space<semaphore_mem>>
        %dma_start3A_51 = tpu.memref_slice %arg3[%add3A_43] : memref<320000xi32, #tpu.memory_space<hbm>> -> memref<40xi32, #tpu.memory_space<hbm>>
        %dma_start3A_52 = tpu.memref_slice %arg3[%add3A_43] : memref<320000xi32, #tpu.memory_space<hbm>> -> memref<40xi32, #tpu.memory_space<hbm>>
        tpu.enqueue_dma source(%dma_start3A_52 : memref<40xi32, #tpu.memory_space<hbm>>) target(%arg12 : memref<40xi32, #tpu.memory_space<vmem>>) target_semaphore(%run_scoped3A : memref<!tpu.dma_semaphore, #tpu.memory_space<semaphore_mem>>)
        %dma_wait3A = tpu.memref_slice %arg3[%add3A_43] : memref<320000xi32, #tpu.memory_space<hbm>> -> memref<40xi32, #tpu.memory_space<hbm>>
        %dma_wait3A_53 = tpu.memref_slice %arg3[%add3A_43] : memref<320000xi32, #tpu.memory_space<hbm>> -> memref<40xi32, #tpu.memory_space<hbm>>
        tpu.wait_dma2 semaphore(%run_scoped3A : memref<!tpu.dma_semaphore, #tpu.memory_space<semaphore_mem>>) src(%dma_wait3A_53 : memref<40xi32, #tpu.memory_space<hbm>>) dst(%arg12 : memref<40xi32, #tpu.memory_space<vmem>>)
        tpu.yield
      }) : () -> ()
      %dma_start3A = arith.constant 0 : i32
      %dma_start3A_44 = arith.constant 0 : i32
      %dma_start3A_45 = tpu.memref_slice %arg4[%dma_start3A, %dma_start3A_44] : memref<10000x68xf32, #tpu.memory_space<hbm>> -> memref<10000x68xf32, #tpu.memory_space<hbm>>
      tpu.enqueue_indirect_dma source(%dma_start3A_45 : memref<10000x68xf32, #tpu.memory_space<hbm>>) target(%arg13 : memref<40x68xf32, #tpu.memory_space<vmem>>) offsets(%arg11 : memref<40xi32, #tpu.memory_space<vmem>>) semaphore(%arg18 : memref<!tpu.dma_semaphore, #tpu.memory_space<semaphore_mem>>)
      %scan3A = arith.constant 0 : i32
      %scan3A_46 = arith.constant 0 : i32
      %scan3A_47 = arith.constant 250 : i32
      %scan3A_48 = arith.addi %scan3A_46, %scan3A_47 : i32
      %scan3A_49 = arith.constant 1 : i32
      scf.for %scan3A_51 = %scan3A_46 to %scan3A_48 step %scan3A_49  : i32 {
        %mul3A_52 = arith.constant 2 : i32
        %mul3A_53 = arith.muli %mul3A_52, %scan3A_51 : i32
        %add3A_54 = arith.constant 1 : i32
        %add3A_55 = arith.addi %mul3A_53, %add3A_54 : i32
        %mul3A_56 = arith.constant 40 : i32
        %mul3A_57 = arith.muli %add3A_55, %mul3A_56 : i32
        %add3A_58 = arith.addi %mul3A_41, %mul3A_57 : i32
        "tpu.region"() ({
          %run_scoped3A = tpu.sem_alloc : memref<!tpu.dma_semaphore, #tpu.memory_space<semaphore_mem>>
          %dma_start3A_73 = tpu.memref_slice %arg2[%add3A_58] : memref<320000xi32, #tpu.memory_space<hbm>> -> memref<40xi32, #tpu.memory_space<hbm>>
          %dma_start3A_74 = tpu.memref_slice %arg2[%add3A_58] : memref<320000xi32, #tpu.memory_space<hbm>> -> memref<40xi32, #tpu.memory_space<hbm>>
          tpu.enqueue_dma source(%dma_start3A_74 : memref<40xi32, #tpu.memory_space<hbm>>) target(%arg14 : memref<40xi32, #tpu.memory_space<vmem>>) target_semaphore(%run_scoped3A : memref<!tpu.dma_semaphore, #tpu.memory_space<semaphore_mem>>)
          %dma_wait3A_75 = tpu.memref_slice %arg2[%add3A_58] : memref<320000xi32, #tpu.memory_space<hbm>> -> memref<40xi32, #tpu.memory_space<hbm>>
          %dma_wait3A_76 = tpu.memref_slice %arg2[%add3A_58] : memref<320000xi32, #tpu.memory_space<hbm>> -> memref<40xi32, #tpu.memory_space<hbm>>
          tpu.wait_dma2 semaphore(%run_scoped3A : memref<!tpu.dma_semaphore, #tpu.memory_space<semaphore_mem>>) src(%dma_wait3A_76 : memref<40xi32, #tpu.memory_space<hbm>>) dst(%arg14 : memref<40xi32, #tpu.memory_space<vmem>>)
          tpu.yield
        }) : () -> ()
        "tpu.region"() ({
          %run_scoped3A = tpu.sem_alloc : memref<!tpu.dma_semaphore, #tpu.memory_space<semaphore_mem>>
          %dma_start3A_73 = tpu.memref_slice %arg3[%add3A_58] : memref<320000xi32, #tpu.memory_space<hbm>> -> memref<40xi32, #tpu.memory_space<hbm>>
          %dma_start3A_74 = tpu.memref_slice %arg3[%add3A_58] : memref<320000xi32, #tpu.memory_space<hbm>> -> memref<40xi32, #tpu.memory_space<hbm>>
          tpu.enqueue_dma source(%dma_start3A_74 : memref<40xi32, #tpu.memory_space<hbm>>) target(%arg15 : memref<40xi32, #tpu.memory_space<vmem>>) target_semaphore(%run_scoped3A : memref<!tpu.dma_semaphore, #tpu.memory_space<semaphore_mem>>)
          %dma_wait3A_75 = tpu.memref_slice %arg3[%add3A_58] : memref<320000xi32, #tpu.memory_space<hbm>> -> memref<40xi32, #tpu.memory_space<hbm>>
          %dma_wait3A_76 = tpu.memref_slice %arg3[%add3A_58] : memref<320000xi32, #tpu.memory_space<hbm>> -> memref<40xi32, #tpu.memory_space<hbm>>
          tpu.wait_dma2 semaphore(%run_scoped3A : memref<!tpu.dma_semaphore, #tpu.memory_space<semaphore_mem>>) src(%dma_wait3A_76 : memref<40xi32, #tpu.memory_space<hbm>>) dst(%arg15 : memref<40xi32, #tpu.memory_space<vmem>>)
          tpu.yield
        }) : () -> ()
        %dma_start3A_59 = arith.constant 0 : i32
        %dma_start3A_60 = arith.constant 0 : i32
        %dma_start3A_61 = tpu.memref_slice %arg4[%dma_start3A_59, %dma_start3A_60] : memref<10000x68xf32, #tpu.memory_space<hbm>> -> memref<10000x68xf32, #tpu.memory_space<hbm>>
        tpu.enqueue_indirect_dma source(%dma_start3A_61 : memref<10000x68xf32, #tpu.memory_space<hbm>>) target(%arg16 : memref<40x68xf32, #tpu.memory_space<vmem>>) offsets(%arg14 : memref<40xi32, #tpu.memory_space<vmem>>) semaphore(%arg19 : memref<!tpu.dma_semaphore, #tpu.memory_space<semaphore_mem>>)
        %dma_wait3A = arith.constant 0 : i32
        %dma_wait3A_62 = arith.constant 0 : i32
        %dma_wait3A_63 = tpu.memref_slice %arg4[%dma_wait3A, %dma_wait3A_62] : memref<10000x68xf32, #tpu.memory_space<hbm>> -> memref<10000x68xf32, #tpu.memory_space<hbm>>
        tpu.wait_indirect_dma semaphore(%arg18 : memref<!tpu.dma_semaphore, #tpu.memory_space<semaphore_mem>>) src(%dma_wait3A_63 : memref<10000x68xf32, #tpu.memory_space<hbm>>) dst(%arg13 : memref<40x68xf32, #tpu.memory_space<vmem>>)
        "tpu.region"() ({
          %run_scoped3A = tpu.sem_alloc : memref<!tpu.dma_semaphore, #tpu.memory_space<semaphore_mem>>
          %dma_start3A_73 = arith.constant 0 : i32
          %dma_start3A_74 = arith.constant 0 : i32
          %dma_start3A_75 = tpu.memref_slice %arg10[%dma_start3A_73, %dma_start3A_74] : memref<10240x68xf32, #tpu.memory_space<vmem_shared>> -> memref<10240x68xf32, #tpu.memory_space<vmem_shared>>
          tpu.enqueue_indirect_dma source(%arg13 : memref<40x68xf32, #tpu.memory_space<vmem>>) target(%dma_start3A_75 : memref<10240x68xf32, #tpu.memory_space<vmem_shared>>) offsets(%arg12 : memref<40xi32, #tpu.memory_space<vmem>>) semaphore(%run_scoped3A : memref<!tpu.dma_semaphore, #tpu.memory_space<semaphore_mem>>) {add = true}
          %dma_wait3A_76 = arith.constant 0 : i32
          %dma_wait3A_77 = arith.constant 0 : i32
          %dma_wait3A_78 = tpu.memref_slice %arg10[%dma_wait3A_76, %dma_wait3A_77] : memref<10240x68xf32, #tpu.memory_space<vmem_shared>> -> memref<10240x68xf32, #tpu.memory_space<vmem_shared>>
          tpu.wait_indirect_dma semaphore(%run_scoped3A : memref<!tpu.dma_semaphore, #tpu.memory_space<semaphore_mem>>) src(%arg13 : memref<40x68xf32, #tpu.memory_space<vmem>>) dst(%dma_wait3A_78 : memref<10240x68xf32, #tpu.memory_space<vmem_shared>>)
          tpu.yield
        }) : () -> ()
        %add3A_64 = arith.constant 2 : i32
        %add3A_65 = arith.addi %mul3A_53, %add3A_64 : i32
        %lt3A = arith.constant 500 : i32
        %lt3A_66 = arith.cmpi slt, %add3A_65, %lt3A : i32
        %convert_element_type3A_67 = arith.extui %lt3A_66 : i1 to i32
        %cond3A_68 = arith.constant 0 : i32
        %cond3A_69 = arith.cmpi ne, %convert_element_type3A_67, %cond3A_68 : i32
        scf.if %cond3A_69 {
          %add3A_73 = arith.constant 2 : i32
          %add3A_74 = arith.addi %mul3A_53, %add3A_73 : i32
          %mul3A_75 = arith.constant 40 : i32
          %mul3A_76 = arith.muli %add3A_74, %mul3A_75 : i32
          %add3A_77 = arith.addi %mul3A_41, %mul3A_76 : i32
          "tpu.region"() ({
            %run_scoped3A = tpu.sem_alloc : memref<!tpu.dma_semaphore, #tpu.memory_space<semaphore_mem>>
            %dma_start3A_81 = tpu.memref_slice %arg2[%add3A_77] : memref<320000xi32, #tpu.memory_space<hbm>> -> memref<40xi32, #tpu.memory_space<hbm>>
            %dma_start3A_82 = tpu.memref_slice %arg2[%add3A_77] : memref<320000xi32, #tpu.memory_space<hbm>> -> memref<40xi32, #tpu.memory_space<hbm>>
            tpu.enqueue_dma source(%dma_start3A_82 : memref<40xi32, #tpu.memory_space<hbm>>) target(%arg11 : memref<40xi32, #tpu.memory_space<vmem>>) target_semaphore(%run_scoped3A : memref<!tpu.dma_semaphore, #tpu.memory_space<semaphore_mem>>)
            %dma_wait3A_83 = tpu.memref_slice %arg2[%add3A_77] : memref<320000xi32, #tpu.memory_space<hbm>> -> memref<40xi32, #tpu.memory_space<hbm>>
            %dma_wait3A_84 = tpu.memref_slice %arg2[%add3A_77] : memref<320000xi32, #tpu.memory_space<hbm>> -> memref<40xi32, #tpu.memory_space<hbm>>
            tpu.wait_dma2 semaphore(%run_scoped3A : memref<!tpu.dma_semaphore, #tpu.memory_space<semaphore_mem>>) src(%dma_wait3A_84 : memref<40xi32, #tpu.memory_space<hbm>>) dst(%arg11 : memref<40xi32, #tpu.memory_space<vmem>>)
            tpu.yield
          }) : () -> ()
          "tpu.region"() ({
            %run_scoped3A = tpu.sem_alloc : memref<!tpu.dma_semaphore, #tpu.memory_space<semaphore_mem>>
            %dma_start3A_81 = tpu.memref_slice %arg3[%add3A_77] : memref<320000xi32, #tpu.memory_space<hbm>> -> memref<40xi32, #tpu.memory_space<hbm>>
            %dma_start3A_82 = tpu.memref_slice %arg3[%add3A_77] : memref<320000xi32, #tpu.memory_space<hbm>> -> memref<40xi32, #tpu.memory_space<hbm>>
            tpu.enqueue_dma source(%dma_start3A_82 : memref<40xi32, #tpu.memory_space<hbm>>) target(%arg12 : memref<40xi32, #tpu.memory_space<vmem>>) target_semaphore(%run_scoped3A : memref<!tpu.dma_semaphore, #tpu.memory_space<semaphore_mem>>)
            %dma_wait3A_83 = tpu.memref_slice %arg3[%add3A_77] : memref<320000xi32, #tpu.memory_space<hbm>> -> memref<40xi32, #tpu.memory_space<hbm>>
            %dma_wait3A_84 = tpu.memref_slice %arg3[%add3A_77] : memref<320000xi32, #tpu.memory_space<hbm>> -> memref<40xi32, #tpu.memory_space<hbm>>
            tpu.wait_dma2 semaphore(%run_scoped3A : memref<!tpu.dma_semaphore, #tpu.memory_space<semaphore_mem>>) src(%dma_wait3A_84 : memref<40xi32, #tpu.memory_space<hbm>>) dst(%arg12 : memref<40xi32, #tpu.memory_space<vmem>>)
            tpu.yield
          }) : () -> ()
          %dma_start3A_78 = arith.constant 0 : i32
          %dma_start3A_79 = arith.constant 0 : i32
          %dma_start3A_80 = tpu.memref_slice %arg4[%dma_start3A_78, %dma_start3A_79] : memref<10000x68xf32, #tpu.memory_space<hbm>> -> memref<10000x68xf32, #tpu.memory_space<hbm>>
          tpu.enqueue_indirect_dma source(%dma_start3A_80 : memref<10000x68xf32, #tpu.memory_space<hbm>>) target(%arg13 : memref<40x68xf32, #tpu.memory_space<vmem>>) offsets(%arg11 : memref<40xi32, #tpu.memory_space<vmem>>) semaphore(%arg18 : memref<!tpu.dma_semaphore, #tpu.memory_space<semaphore_mem>>)
        } else {
        }
        %dma_wait3A_70 = arith.constant 0 : i32
        %dma_wait3A_71 = arith.constant 0 : i32
        %dma_wait3A_72 = tpu.memref_slice %arg4[%dma_wait3A_70, %dma_wait3A_71] : memref<10000x68xf32, #tpu.memory_space<hbm>> -> memref<10000x68xf32, #tpu.memory_space<hbm>>
        tpu.wait_indirect_dma semaphore(%arg19 : memref<!tpu.dma_semaphore, #tpu.memory_space<semaphore_mem>>) src(%dma_wait3A_72 : memref<10000x68xf32, #tpu.memory_space<hbm>>) dst(%arg16 : memref<40x68xf32, #tpu.memory_space<vmem>>)
        "tpu.region"() ({
          %run_scoped3A = tpu.sem_alloc : memref<!tpu.dma_semaphore, #tpu.memory_space<semaphore_mem>>
          %dma_start3A_73 = arith.constant 0 : i32
          %dma_start3A_74 = arith.constant 0 : i32
          %dma_start3A_75 = tpu.memref_slice %arg10[%dma_start3A_73, %dma_start3A_74] : memref<10240x68xf32, #tpu.memory_space<vmem_shared>> -> memref<10240x68xf32, #tpu.memory_space<vmem_shared>>
          tpu.enqueue_indirect_dma source(%arg16 : memref<40x68xf32, #tpu.memory_space<vmem>>) target(%dma_start3A_75 : memref<10240x68xf32, #tpu.memory_space<vmem_shared>>) offsets(%arg15 : memref<40xi32, #tpu.memory_space<vmem>>) semaphore(%run_scoped3A : memref<!tpu.dma_semaphore, #tpu.memory_space<semaphore_mem>>) {add = true}
          %dma_wait3A_76 = arith.constant 0 : i32
          %dma_wait3A_77 = arith.constant 0 : i32
          %dma_wait3A_78 = tpu.memref_slice %arg10[%dma_wait3A_76, %dma_wait3A_77] : memref<10240x68xf32, #tpu.memory_space<vmem_shared>> -> memref<10240x68xf32, #tpu.memory_space<vmem_shared>>
          tpu.wait_indirect_dma semaphore(%run_scoped3A : memref<!tpu.dma_semaphore, #tpu.memory_space<semaphore_mem>>) src(%arg16 : memref<40x68xf32, #tpu.memory_space<vmem>>) dst(%dma_wait3A_78 : memref<10240x68xf32, #tpu.memory_space<vmem_shared>>)
          tpu.yield
        }) : () -> ()
      }
      %scan3A_50 = arith.constant 250 : i32
    } else {
    }
    %eq3A_34 = arith.constant 1 : i32
    %eq3A_35 = arith.cmpi eq, %arg0, %eq3A_34 : i32
    %convert_element_type3A_36 = arith.extui %eq3A_35 : i1 to i32
    %cond3A_37 = arith.constant 0 : i32
    %cond3A_38 = arith.cmpi ne, %convert_element_type3A_36, %cond3A_37 : i32
    scf.if %cond3A_38 {
      "tpu.region"() ({
        %run_scoped3A = tpu.sem_alloc : memref<!tpu.dma_semaphore, #tpu.memory_space<semaphore_mem>>
        tpu.enqueue_dma source(%arg7 : memref<10000x4xf32, #tpu.memory_space<hbm>>) target(%arg17 : memref<10000x4xf32, #tpu.memory_space<vmem>>) target_semaphore(%run_scoped3A : memref<!tpu.dma_semaphore, #tpu.memory_space<semaphore_mem>>)
        tpu.wait_dma2 semaphore(%run_scoped3A : memref<!tpu.dma_semaphore, #tpu.memory_space<semaphore_mem>>) src(%arg7 : memref<10000x4xf32, #tpu.memory_space<hbm>>) dst(%arg17 : memref<10000x4xf32, #tpu.memory_space<vmem>>)
        tpu.yield
      }) : () -> ()
      %barrier3A_39 = arith.constant 0 : index
      tpu.barrier barrier_id(%barrier3A_39)
      %mul3A_40 = arith.constant 20000 : i32
      %mul3A_41 = arith.muli %arg1, %mul3A_40 : i32
      %add3A_42 = arith.constant 0 : i32
      %add3A_43 = arith.addi %mul3A_41, %add3A_42 : i32
      "tpu.region"() ({
        %run_scoped3A = tpu.sem_alloc : memref<!tpu.dma_semaphore, #tpu.memory_space<semaphore_mem>>
        %dma_start3A_51 = tpu.memref_slice %arg2[%add3A_43] : memref<320000xi32, #tpu.memory_space<hbm>> -> memref<40xi32, #tpu.memory_space<hbm>>
        %dma_start3A_52 = tpu.memref_slice %arg2[%add3A_43] : memref<320000xi32, #tpu.memory_space<hbm>> -> memref<40xi32, #tpu.memory_space<hbm>>
        tpu.enqueue_dma source(%dma_start3A_52 : memref<40xi32, #tpu.memory_space<hbm>>) target(%arg11 : memref<40xi32, #tpu.memory_space<vmem>>) target_semaphore(%run_scoped3A : memref<!tpu.dma_semaphore, #tpu.memory_space<semaphore_mem>>)
        %dma_wait3A = tpu.memref_slice %arg2[%add3A_43] : memref<320000xi32, #tpu.memory_space<hbm>> -> memref<40xi32, #tpu.memory_space<hbm>>
        %dma_wait3A_53 = tpu.memref_slice %arg2[%add3A_43] : memref<320000xi32, #tpu.memory_space<hbm>> -> memref<40xi32, #tpu.memory_space<hbm>>
        tpu.wait_dma2 semaphore(%run_scoped3A : memref<!tpu.dma_semaphore, #tpu.memory_space<semaphore_mem>>) src(%dma_wait3A_53 : memref<40xi32, #tpu.memory_space<hbm>>) dst(%arg11 : memref<40xi32, #tpu.memory_space<vmem>>)
        tpu.yield
      }) : () -> ()
      "tpu.region"() ({
        %run_scoped3A = tpu.sem_alloc : memref<!tpu.dma_semaphore, #tpu.memory_space<semaphore_mem>>
        %dma_start3A_51 = tpu.memref_slice %arg3[%add3A_43] : memref<320000xi32, #tpu.memory_space<hbm>> -> memref<40xi32, #tpu.memory_space<hbm>>
        %dma_start3A_52 = tpu.memref_slice %arg3[%add3A_43] : memref<320000xi32, #tpu.memory_space<hbm>> -> memref<40xi32, #tpu.memory_space<hbm>>
        tpu.enqueue_dma source(%dma_start3A_52 : memref<40xi32, #tpu.memory_space<hbm>>) target(%arg12 : memref<40xi32, #tpu.memory_space<vmem>>) target_semaphore(%run_scoped3A : memref<!tpu.dma_semaphore, #tpu.memory_space<semaphore_mem>>)
        %dma_wait3A = tpu.memref_slice %arg3[%add3A_43] : memref<320000xi32, #tpu.memory_space<hbm>> -> memref<40xi32, #tpu.memory_space<hbm>>
        %dma_wait3A_53 = tpu.memref_slice %arg3[%add3A_43] : memref<320000xi32, #tpu.memory_space<hbm>> -> memref<40xi32, #tpu.memory_space<hbm>>
        tpu.wait_dma2 semaphore(%run_scoped3A : memref<!tpu.dma_semaphore, #tpu.memory_space<semaphore_mem>>) src(%dma_wait3A_53 : memref<40xi32, #tpu.memory_space<hbm>>) dst(%arg12 : memref<40xi32, #tpu.memory_space<vmem>>)
        tpu.yield
      }) : () -> ()
      %dma_start3A = arith.constant 0 : i32
      %dma_start3A_44 = arith.constant 0 : i32
      %dma_start3A_45 = tpu.memref_slice %arg5[%dma_start3A, %dma_start3A_44] : memref<10000x68xf32, #tpu.memory_space<hbm>> -> memref<10000x68xf32, #tpu.memory_space<hbm>>
      tpu.enqueue_indirect_dma source(%dma_start3A_45 : memref<10000x68xf32, #tpu.memory_space<hbm>>) target(%arg13 : memref<40x68xf32, #tpu.memory_space<vmem>>) offsets(%arg11 : memref<40xi32, #tpu.memory_space<vmem>>) semaphore(%arg18 : memref<!tpu.dma_semaphore, #tpu.memory_space<semaphore_mem>>)
      %scan3A = arith.constant 0 : i32
      %scan3A_46 = arith.constant 0 : i32
      %scan3A_47 = arith.constant 250 : i32
      %scan3A_48 = arith.addi %scan3A_46, %scan3A_47 : i32
      %scan3A_49 = arith.constant 1 : i32
      scf.for %scan3A_51 = %scan3A_46 to %scan3A_48 step %scan3A_49  : i32 {
        %mul3A_52 = arith.constant 2 : i32
        %mul3A_53 = arith.muli %mul3A_52, %scan3A_51 : i32
        %add3A_54 = arith.constant 1 : i32
        %add3A_55 = arith.addi %mul3A_53, %add3A_54 : i32
        %mul3A_56 = arith.constant 40 : i32
        %mul3A_57 = arith.muli %add3A_55, %mul3A_56 : i32
        %add3A_58 = arith.addi %mul3A_41, %mul3A_57 : i32
        "tpu.region"() ({
          %run_scoped3A = tpu.sem_alloc : memref<!tpu.dma_semaphore, #tpu.memory_space<semaphore_mem>>
          %dma_start3A_73 = tpu.memref_slice %arg2[%add3A_58] : memref<320000xi32, #tpu.memory_space<hbm>> -> memref<40xi32, #tpu.memory_space<hbm>>
          %dma_start3A_74 = tpu.memref_slice %arg2[%add3A_58] : memref<320000xi32, #tpu.memory_space<hbm>> -> memref<40xi32, #tpu.memory_space<hbm>>
          tpu.enqueue_dma source(%dma_start3A_74 : memref<40xi32, #tpu.memory_space<hbm>>) target(%arg14 : memref<40xi32, #tpu.memory_space<vmem>>) target_semaphore(%run_scoped3A : memref<!tpu.dma_semaphore, #tpu.memory_space<semaphore_mem>>)
          %dma_wait3A_75 = tpu.memref_slice %arg2[%add3A_58] : memref<320000xi32, #tpu.memory_space<hbm>> -> memref<40xi32, #tpu.memory_space<hbm>>
          %dma_wait3A_76 = tpu.memref_slice %arg2[%add3A_58] : memref<320000xi32, #tpu.memory_space<hbm>> -> memref<40xi32, #tpu.memory_space<hbm>>
          tpu.wait_dma2 semaphore(%run_scoped3A : memref<!tpu.dma_semaphore, #tpu.memory_space<semaphore_mem>>) src(%dma_wait3A_76 : memref<40xi32, #tpu.memory_space<hbm>>) dst(%arg14 : memref<40xi32, #tpu.memory_space<vmem>>)
          tpu.yield
        }) : () -> ()
        "tpu.region"() ({
          %run_scoped3A = tpu.sem_alloc : memref<!tpu.dma_semaphore, #tpu.memory_space<semaphore_mem>>
          %dma_start3A_73 = tpu.memref_slice %arg3[%add3A_58] : memref<320000xi32, #tpu.memory_space<hbm>> -> memref<40xi32, #tpu.memory_space<hbm>>
          %dma_start3A_74 = tpu.memref_slice %arg3[%add3A_58] : memref<320000xi32, #tpu.memory_space<hbm>> -> memref<40xi32, #tpu.memory_space<hbm>>
          tpu.enqueue_dma source(%dma_start3A_74 : memref<40xi32, #tpu.memory_space<hbm>>) target(%arg15 : memref<40xi32, #tpu.memory_space<vmem>>) target_semaphore(%run_scoped3A : memref<!tpu.dma_semaphore, #tpu.memory_space<semaphore_mem>>)
          %dma_wait3A_75 = tpu.memref_slice %arg3[%add3A_58] : memref<320000xi32, #tpu.memory_space<hbm>> -> memref<40xi32, #tpu.memory_space<hbm>>
          %dma_wait3A_76 = tpu.memref_slice %arg3[%add3A_58] : memref<320000xi32, #tpu.memory_space<hbm>> -> memref<40xi32, #tpu.memory_space<hbm>>
          tpu.wait_dma2 semaphore(%run_scoped3A : memref<!tpu.dma_semaphore, #tpu.memory_space<semaphore_mem>>) src(%dma_wait3A_76 : memref<40xi32, #tpu.memory_space<hbm>>) dst(%arg15 : memref<40xi32, #tpu.memory_space<vmem>>)
          tpu.yield
        }) : () -> ()
        %dma_start3A_59 = arith.constant 0 : i32
        %dma_start3A_60 = arith.constant 0 : i32
        %dma_start3A_61 = tpu.memref_slice %arg5[%dma_start3A_59, %dma_start3A_60] : memref<10000x68xf32, #tpu.memory_space<hbm>> -> memref<10000x68xf32, #tpu.memory_space<hbm>>
        tpu.enqueue_indirect_dma source(%dma_start3A_61 : memref<10000x68xf32, #tpu.memory_space<hbm>>) target(%arg16 : memref<40x68xf32, #tpu.memory_space<vmem>>) offsets(%arg14 : memref<40xi32, #tpu.memory_space<vmem>>) semaphore(%arg19 : memref<!tpu.dma_semaphore, #tpu.memory_space<semaphore_mem>>)
        %dma_wait3A = arith.constant 0 : i32
        %dma_wait3A_62 = arith.constant 0 : i32
        %dma_wait3A_63 = tpu.memref_slice %arg5[%dma_wait3A, %dma_wait3A_62] : memref<10000x68xf32, #tpu.memory_space<hbm>> -> memref<10000x68xf32, #tpu.memory_space<hbm>>
        tpu.wait_indirect_dma semaphore(%arg18 : memref<!tpu.dma_semaphore, #tpu.memory_space<semaphore_mem>>) src(%dma_wait3A_63 : memref<10000x68xf32, #tpu.memory_space<hbm>>) dst(%arg13 : memref<40x68xf32, #tpu.memory_space<vmem>>)
        "tpu.region"() ({
          %run_scoped3A = tpu.sem_alloc : memref<!tpu.dma_semaphore, #tpu.memory_space<semaphore_mem>>
          %dma_start3A_73 = arith.constant 0 : i32
          %dma_start3A_74 = arith.constant 0 : i32
          %dma_start3A_75 = tpu.memref_slice %arg10[%dma_start3A_73, %dma_start3A_74] : memref<10240x68xf32, #tpu.memory_space<vmem_shared>> -> memref<10240x68xf32, #tpu.memory_space<vmem_shared>>
          tpu.enqueue_indirect_dma source(%arg13 : memref<40x68xf32, #tpu.memory_space<vmem>>) target(%dma_start3A_75 : memref<10240x68xf32, #tpu.memory_space<vmem_shared>>) offsets(%arg12 : memref<40xi32, #tpu.memory_space<vmem>>) semaphore(%run_scoped3A : memref<!tpu.dma_semaphore, #tpu.memory_space<semaphore_mem>>) {add = true}
          %dma_wait3A_76 = arith.constant 0 : i32
          %dma_wait3A_77 = arith.constant 0 : i32
          %dma_wait3A_78 = tpu.memref_slice %arg10[%dma_wait3A_76, %dma_wait3A_77] : memref<10240x68xf32, #tpu.memory_space<vmem_shared>> -> memref<10240x68xf32, #tpu.memory_space<vmem_shared>>
          tpu.wait_indirect_dma semaphore(%run_scoped3A : memref<!tpu.dma_semaphore, #tpu.memory_space<semaphore_mem>>) src(%arg13 : memref<40x68xf32, #tpu.memory_space<vmem>>) dst(%dma_wait3A_78 : memref<10240x68xf32, #tpu.memory_space<vmem_shared>>)
          tpu.yield
        }) : () -> ()
        %add3A_64 = arith.constant 2 : i32
        %add3A_65 = arith.addi %mul3A_53, %add3A_64 : i32
        %lt3A = arith.constant 500 : i32
        %lt3A_66 = arith.cmpi slt, %add3A_65, %lt3A : i32
        %convert_element_type3A_67 = arith.extui %lt3A_66 : i1 to i32
        %cond3A_68 = arith.constant 0 : i32
        %cond3A_69 = arith.cmpi ne, %convert_element_type3A_67, %cond3A_68 : i32
        scf.if %cond3A_69 {
          %add3A_73 = arith.constant 2 : i32
          %add3A_74 = arith.addi %mul3A_53, %add3A_73 : i32
          %mul3A_75 = arith.constant 40 : i32
          %mul3A_76 = arith.muli %add3A_74, %mul3A_75 : i32
          %add3A_77 = arith.addi %mul3A_41, %mul3A_76 : i32
          "tpu.region"() ({
            %run_scoped3A = tpu.sem_alloc : memref<!tpu.dma_semaphore, #tpu.memory_space<semaphore_mem>>
            %dma_start3A_81 = tpu.memref_slice %arg2[%add3A_77] : memref<320000xi32, #tpu.memory_space<hbm>> -> memref<40xi32, #tpu.memory_space<hbm>>
            %dma_start3A_82 = tpu.memref_slice %arg2[%add3A_77] : memref<320000xi32, #tpu.memory_space<hbm>> -> memref<40xi32, #tpu.memory_space<hbm>>
            tpu.enqueue_dma source(%dma_start3A_82 : memref<40xi32, #tpu.memory_space<hbm>>) target(%arg11 : memref<40xi32, #tpu.memory_space<vmem>>) target_semaphore(%run_scoped3A : memref<!tpu.dma_semaphore, #tpu.memory_space<semaphore_mem>>)
            %dma_wait3A_83 = tpu.memref_slice %arg2[%add3A_77] : memref<320000xi32, #tpu.memory_space<hbm>> -> memref<40xi32, #tpu.memory_space<hbm>>
            %dma_wait3A_84 = tpu.memref_slice %arg2[%add3A_77] : memref<320000xi32, #tpu.memory_space<hbm>> -> memref<40xi32, #tpu.memory_space<hbm>>
            tpu.wait_dma2 semaphore(%run_scoped3A : memref<!tpu.dma_semaphore, #tpu.memory_space<semaphore_mem>>) src(%dma_wait3A_84 : memref<40xi32, #tpu.memory_space<hbm>>) dst(%arg11 : memref<40xi32, #tpu.memory_space<vmem>>)
            tpu.yield
          }) : () -> ()
          "tpu.region"() ({
            %run_scoped3A = tpu.sem_alloc : memref<!tpu.dma_semaphore, #tpu.memory_space<semaphore_mem>>
            %dma_start3A_81 = tpu.memref_slice %arg3[%add3A_77] : memref<320000xi32, #tpu.memory_space<hbm>> -> memref<40xi32, #tpu.memory_space<hbm>>
            %dma_start3A_82 = tpu.memref_slice %arg3[%add3A_77] : memref<320000xi32, #tpu.memory_space<hbm>> -> memref<40xi32, #tpu.memory_space<hbm>>
            tpu.enqueue_dma source(%dma_start3A_82 : memref<40xi32, #tpu.memory_space<hbm>>) target(%arg12 : memref<40xi32, #tpu.memory_space<vmem>>) target_semaphore(%run_scoped3A : memref<!tpu.dma_semaphore, #tpu.memory_space<semaphore_mem>>)
            %dma_wait3A_83 = tpu.memref_slice %arg3[%add3A_77] : memref<320000xi32, #tpu.memory_space<hbm>> -> memref<40xi32, #tpu.memory_space<hbm>>
            %dma_wait3A_84 = tpu.memref_slice %arg3[%add3A_77] : memref<320000xi32, #tpu.memory_space<hbm>> -> memref<40xi32, #tpu.memory_space<hbm>>
            tpu.wait_dma2 semaphore(%run_scoped3A : memref<!tpu.dma_semaphore, #tpu.memory_space<semaphore_mem>>) src(%dma_wait3A_84 : memref<40xi32, #tpu.memory_space<hbm>>) dst(%arg12 : memref<40xi32, #tpu.memory_space<vmem>>)
            tpu.yield
          }) : () -> ()
          %dma_start3A_78 = arith.constant 0 : i32
          %dma_start3A_79 = arith.constant 0 : i32
          %dma_start3A_80 = tpu.memref_slice %arg5[%dma_start3A_78, %dma_start3A_79] : memref<10000x68xf32, #tpu.memory_space<hbm>> -> memref<10000x68xf32, #tpu.memory_space<hbm>>
          tpu.enqueue_indirect_dma source(%dma_start3A_80 : memref<10000x68xf32, #tpu.memory_space<hbm>>) target(%arg13 : memref<40x68xf32, #tpu.memory_space<vmem>>) offsets(%arg11 : memref<40xi32, #tpu.memory_space<vmem>>) semaphore(%arg18 : memref<!tpu.dma_semaphore, #tpu.memory_space<semaphore_mem>>)
        } else {
        }
        %dma_wait3A_70 = arith.constant 0 : i32
        %dma_wait3A_71 = arith.constant 0 : i32
        %dma_wait3A_72 = tpu.memref_slice %arg5[%dma_wait3A_70, %dma_wait3A_71] : memref<10000x68xf32, #tpu.memory_space<hbm>> -> memref<10000x68xf32, #tpu.memory_space<hbm>>
        tpu.wait_indirect_dma semaphore(%arg19 : memref<!tpu.dma_semaphore, #tpu.memory_space<semaphore_mem>>) src(%dma_wait3A_72 : memref<10000x68xf32, #tpu.memory_space<hbm>>) dst(%arg16 : memref<40x68xf32, #tpu.memory_space<vmem>>)
        "tpu.region"() ({
          %run_scoped3A = tpu.sem_alloc : memref<!tpu.dma_semaphore, #tpu.memory_space<semaphore_mem>>
          %dma_start3A_73 = arith.constant 0 : i32
          %dma_start3A_74 = arith.constant 0 : i32
          %dma_start3A_75 = tpu.memref_slice %arg10[%dma_start3A_73, %dma_start3A_74] : memref<10240x68xf32, #tpu.memory_space<vmem_shared>> -> memref<10240x68xf32, #tpu.memory_space<vmem_shared>>
          tpu.enqueue_indirect_dma source(%arg16 : memref<40x68xf32, #tpu.memory_space<vmem>>) target(%dma_start3A_75 : memref<10240x68xf32, #tpu.memory_space<vmem_shared>>) offsets(%arg15 : memref<40xi32, #tpu.memory_space<vmem>>) semaphore(%run_scoped3A : memref<!tpu.dma_semaphore, #tpu.memory_space<semaphore_mem>>) {add = true}
          %dma_wait3A_76 = arith.constant 0 : i32
          %dma_wait3A_77 = arith.constant 0 : i32
          %dma_wait3A_78 = tpu.memref_slice %arg10[%dma_wait3A_76, %dma_wait3A_77] : memref<10240x68xf32, #tpu.memory_space<vmem_shared>> -> memref<10240x68xf32, #tpu.memory_space<vmem_shared>>
          tpu.wait_indirect_dma semaphore(%run_scoped3A : memref<!tpu.dma_semaphore, #tpu.memory_space<semaphore_mem>>) src(%arg16 : memref<40x68xf32, #tpu.memory_space<vmem>>) dst(%dma_wait3A_78 : memref<10240x68xf32, #tpu.memory_space<vmem_shared>>)
          tpu.yield
        }) : () -> ()
      }
      %scan3A_50 = arith.constant 250 : i32
    } else {
    }
    %barrier3A = arith.constant 0 : index
    tpu.barrier barrier_id(%barrier3A)
    "tpu.region"() ({
      %run_scoped3A = tpu.sem_alloc : memref<!tpu.dma_semaphore, #tpu.memory_space<semaphore_mem>>
      %dma_start3A = arith.constant 0 : i32
      %dma_start3A_39 = arith.constant 0 : i32
      %dma_start3A_40 = tpu.memref_slice %arg9[%arg0, %dma_start3A, %dma_start3A_39] : memref<2x10240x68xf32, #tpu.memory_space<hbm>> -> memref<1x10240x68xf32, #tpu.memory_space<hbm>>
      %dma_start3A_41 = tpu.memref_squeeze %dma_start3A_40 : memref<1x10240x68xf32, #tpu.memory_space<hbm>> -> memref<10240x68xf32, #tpu.memory_space<hbm>>
      %dma_start3A_42 = arith.constant 0 : i32
      %dma_start3A_43 = tpu.memref_slice %dma_start3A_41[%mul3A_0, %dma_start3A_42] : memref<10240x68xf32, #tpu.memory_space<hbm>> -> memref<640x68xf32, #tpu.memory_space<hbm>>
      %dma_start3A_44 = arith.constant 0 : i32
      %dma_start3A_45 = tpu.memref_slice %arg10[%mul3A_0, %dma_start3A_44] : memref<10240x68xf32, #tpu.memory_space<vmem_shared>> -> memref<640x68xf32, #tpu.memory_space<vmem_shared>>
      tpu.enqueue_dma source(%dma_start3A_45 : memref<640x68xf32, #tpu.memory_space<vmem_shared>>) target(%dma_start3A_43 : memref<640x68xf32, #tpu.memory_space<hbm>>) target_semaphore(%run_scoped3A : memref<!tpu.dma_semaphore, #tpu.memory_space<semaphore_mem>>)
      %dma_wait3A = arith.constant 0 : i32
      %dma_wait3A_46 = arith.constant 0 : i32
      %dma_wait3A_47 = tpu.memref_slice %arg9[%arg0, %dma_wait3A, %dma_wait3A_46] : memref<2x10240x68xf32, #tpu.memory_space<hbm>> -> memref<1x10240x68xf32, #tpu.memory_space<hbm>>
      %dma_wait3A_48 = tpu.memref_squeeze %dma_wait3A_47 : memref<1x10240x68xf32, #tpu.memory_space<hbm>> -> memref<10240x68xf32, #tpu.memory_space<hbm>>
      %dma_wait3A_49 = arith.constant 0 : i32
      %dma_wait3A_50 = tpu.memref_slice %dma_wait3A_48[%mul3A_0, %dma_wait3A_49] : memref<10240x68xf32, #tpu.memory_space<hbm>> -> memref<640x68xf32, #tpu.memory_space<hbm>>
      %dma_wait3A_51 = arith.constant 0 : i32
      %dma_wait3A_52 = tpu.memref_slice %arg10[%mul3A_0, %dma_wait3A_51] : memref<10240x68xf32, #tpu.memory_space<vmem_shared>> -> memref<640x68xf32, #tpu.memory_space<vmem_shared>>
      tpu.wait_dma2 semaphore(%run_scoped3A : memref<!tpu.dma_semaphore, #tpu.memory_space<semaphore_mem>>) src(%dma_wait3A_52 : memref<640x68xf32, #tpu.memory_space<vmem_shared>>) dst(%dma_wait3A_50 : memref<640x68xf32, #tpu.memory_space<hbm>>)
      tpu.yield
    }) : () -> ()
    return
  }
}

#map = affine_map<(d0, d1) -> (0)>
#map1 = affine_map<(d0, d1) -> (0, 0)>
#map2 = affine_map<(d0, d1) -> (0, 0, 0)>
module attributes {stable_mosaic.version = 14 : i64} {
  func.func @_sc_body(%arg0: i32, %arg1: i32, %arg2: memref<320000xi32, #tpu.memory_space<hbm>>, %arg3: memref<320000xi32, #tpu.memory_space<hbm>>, %arg4: memref<10000x68xf32, #tpu.memory_space<hbm>>, %arg5: memref<10000x68xf32, #tpu.memory_space<hbm>>, %arg6: memref<10000x4xf32, #tpu.memory_space<hbm>>, %arg7: memref<10000x4xf32, #tpu.memory_space<hbm>>, %arg8: memref<10240x68xf32, #tpu.memory_space<hbm>>, %arg9: memref<2x10240x68xf32, #tpu.memory_space<hbm>>, %arg10: memref<10240x68xf32, #tpu.memory_space<vmem_shared>>, %arg11: memref<40xi32, #tpu.memory_space<vmem>>, %arg12: memref<40xi32, #tpu.memory_space<vmem>>, %arg13: memref<40x68xf32, #tpu.memory_space<vmem>>, %arg14: memref<40xi32, #tpu.memory_space<vmem>>, %arg15: memref<40xi32, #tpu.memory_space<vmem>>, %arg16: memref<40x68xf32, #tpu.memory_space<vmem>>, %arg17: memref<10000x4xf32, #tpu.memory_space<vmem>>, %arg18: memref<!tpu.dma_semaphore, #tpu.memory_space<semaphore_mem>>, %arg19: memref<!tpu.dma_semaphore, #tpu.memory_space<semaphore_mem>>) attributes {dimension_semantics = [#tpu.dimension_semantics<core_parallel>, #tpu.dimension_semantics<subcore_parallel>], iteration_bounds = array<i64: 2, 16>, scalar_prefetch = 0 : i64, scratch_operands = 10 : i64, tpu.core_type = #tpu.core_type<sc_vector_subcore>, window_params = [{transform_indices = #map}, {transform_indices = #map}, {transform_indices = #map1}, {transform_indices = #map1}, {transform_indices = #map1}, {transform_indices = #map1}, {transform_indices = #map1}, {transform_indices = #map2}]} {
    %mul3A = arith.constant 640 : i32
    %mul3A_0 = arith.muli %arg1, %mul3A : i32
    "tpu.region"() ({
      %run_scoped3A = tpu.sem_alloc : memref<!tpu.dma_semaphore, #tpu.memory_space<semaphore_mem>>
      %dma_start3A = arith.constant 0 : i32
      %dma_start3A_39 = tpu.memref_slice %arg10[%mul3A_0, %dma_start3A] : memref<10240x68xf32, #tpu.memory_space<vmem_shared>> -> memref<640x68xf32, #tpu.memory_space<vmem_shared>>
      %dma_start3A_40 = arith.constant 0 : i32
      %dma_start3A_41 = tpu.memref_slice %arg8[%mul3A_0, %dma_start3A_40] : memref<10240x68xf32, #tpu.memory_space<hbm>> -> memref<640x68xf32, #tpu.memory_space<hbm>>
      tpu.enqueue_dma source(%dma_start3A_41 : memref<640x68xf32, #tpu.memory_space<hbm>>) target(%dma_start3A_39 : memref<640x68xf32, #tpu.memory_space<vmem_shared>>) target_semaphore(%run_scoped3A : memref<!tpu.dma_semaphore, #tpu.memory_space<semaphore_mem>>)
      %dma_wait3A = arith.constant 0 : i32
      %dma_wait3A_42 = tpu.memref_slice %arg10[%mul3A_0, %dma_wait3A] : memref<10240x68xf32, #tpu.memory_space<vmem_shared>> -> memref<640x68xf32, #tpu.memory_space<vmem_shared>>
      %dma_wait3A_43 = arith.constant 0 : i32
      %dma_wait3A_44 = tpu.memref_slice %arg8[%mul3A_0, %dma_wait3A_43] : memref<10240x68xf32, #tpu.memory_space<hbm>> -> memref<640x68xf32, #tpu.memory_space<hbm>>
      tpu.wait_dma2 semaphore(%run_scoped3A : memref<!tpu.dma_semaphore, #tpu.memory_space<semaphore_mem>>) src(%dma_wait3A_44 : memref<640x68xf32, #tpu.memory_space<hbm>>) dst(%dma_wait3A_42 : memref<640x68xf32, #tpu.memory_space<vmem_shared>>)
      tpu.yield
    }) : () -> ()
    %iota3A = tpu.iota {dimensions = array<i32: 0>} : vector<16xi32>
    %jit3A = arith.constant 4 : i32
    %div3A = vector.broadcast %jit3A : i32 to vector<16xi32>
    %div3A_1 = arith.divsi %iota3A, %div3A : vector<16xi32>
    %sign3A = arith.constant 0 : i32
    %sign3A_2 = vector.broadcast %sign3A : i32 to vector<16xi32>
    %sign3A_3 = arith.cmpi sgt, %iota3A, %sign3A_2 : vector<16xi32>
    %sign3A_4 = arith.extui %sign3A_3 : vector<16xi1> to vector<16xi32>
    %sign3A_5 = arith.constant 0 : i32
    %sign3A_6 = vector.broadcast %sign3A_5 : i32 to vector<16xi32>
    %sign3A_7 = arith.cmpi slt, %iota3A, %sign3A_6 : vector<16xi32>
    %sign3A_8 = arith.extui %sign3A_7 : vector<16xi1> to vector<16xi32>
    %sign3A_9 = arith.subi %sign3A_4, %sign3A_8 : vector<16xi32>
    %sign3A_10 = arith.constant 0 : i32
    %sign3A_11 = arith.cmpi sgt, %jit3A, %sign3A_10 : i32
    %sign3A_12 = arith.extui %sign3A_11 : i1 to i32
    %sign3A_13 = arith.constant 0 : i32
    %sign3A_14 = arith.cmpi slt, %jit3A, %sign3A_13 : i32
    %sign3A_15 = arith.extui %sign3A_14 : i1 to i32
    %sign3A_16 = arith.subi %sign3A_12, %sign3A_15 : i32
    %ne3A = vector.broadcast %sign3A_16 : i32 to vector<16xi32>
    %ne3A_17 = arith.cmpi ne, %sign3A_9, %ne3A : vector<16xi32>
    %rem3A = vector.broadcast %jit3A : i32 to vector<16xi32>
    %rem3A_18 = arith.remsi %iota3A, %rem3A : vector<16xi32>
    %ne3A_19 = arith.constant 0 : i32
    %ne3A_20 = vector.broadcast %ne3A_19 : i32 to vector<16xi32>
    %ne3A_21 = arith.cmpi ne, %rem3A_18, %ne3A_20 : vector<16xi32>
    %and3A = arith.andi %ne3A_17, %ne3A_21 : vector<16xi1>
    %sub3A = arith.constant 1 : i32
    %sub3A_22 = vector.broadcast %sub3A : i32 to vector<16xi32>
    %sub3A_23 = arith.subi %div3A_1, %sub3A_22 : vector<16xi32>
    %select_n3A = arith.select %and3A, %sub3A_23, %div3A_1 : vector<16xi1>, vector<16xi32>
    %and3A_24 = arith.constant 3 : i32
    %and3A_25 = vector.broadcast %and3A_24 : i32 to vector<16xi32>
    %and3A_26 = arith.andi %iota3A, %and3A_25 : vector<16xi32>
    %add3A = arith.constant 64 : i32
    %add3A_27 = vector.broadcast %add3A : i32 to vector<16xi32>
    %add3A_28 = arith.addi %add3A_27, %and3A_26 : vector<16xi32>
    %broadcast_in_dim3A = arith.constant 4 : i32
    %broadcast_in_dim3A_29 = vector.broadcast %broadcast_in_dim3A : i32 to vector<16xi32>
    %broadcast_in_dim3A_30 = arith.constant 1 : i32
    %broadcast_in_dim3A_31 = vector.broadcast %broadcast_in_dim3A_30 : i32 to vector<16xi32>
    %eq3A = arith.constant 0 : i32
    %eq3A_32 = arith.cmpi eq, %arg0, %eq3A : i32
    %convert_element_type3A = arith.extui %eq3A_32 : i1 to i32
    %cond3A = arith.constant 0 : i32
    %cond3A_33 = arith.cmpi ne, %convert_element_type3A, %cond3A : i32
    scf.if %cond3A_33 {
      "tpu.region"() ({
        %run_scoped3A = tpu.sem_alloc : memref<!tpu.dma_semaphore, #tpu.memory_space<semaphore_mem>>
        tpu.enqueue_dma source(%arg6 : memref<10000x4xf32, #tpu.memory_space<hbm>>) target(%arg17 : memref<10000x4xf32, #tpu.memory_space<vmem>>) target_semaphore(%run_scoped3A : memref<!tpu.dma_semaphore, #tpu.memory_space<semaphore_mem>>)
        tpu.wait_dma2 semaphore(%run_scoped3A : memref<!tpu.dma_semaphore, #tpu.memory_space<semaphore_mem>>) src(%arg6 : memref<10000x4xf32, #tpu.memory_space<hbm>>) dst(%arg17 : memref<10000x4xf32, #tpu.memory_space<vmem>>)
        tpu.yield
      }) : () -> ()
      %barrier3A_39 = arith.constant 0 : index
      tpu.barrier barrier_id(%barrier3A_39)
      %mul3A_40 = arith.constant 20000 : i32
      %mul3A_41 = arith.muli %arg1, %mul3A_40 : i32
      %add3A_42 = arith.constant 0 : i32
      %add3A_43 = arith.addi %mul3A_41, %add3A_42 : i32
      "tpu.region"() ({
        %run_scoped3A = tpu.sem_alloc : memref<!tpu.dma_semaphore, #tpu.memory_space<semaphore_mem>>
        %dma_start3A_51 = tpu.memref_slice %arg2[%add3A_43] : memref<320000xi32, #tpu.memory_space<hbm>> -> memref<40xi32, #tpu.memory_space<hbm>>
        %dma_start3A_52 = tpu.memref_slice %arg2[%add3A_43] : memref<320000xi32, #tpu.memory_space<hbm>> -> memref<40xi32, #tpu.memory_space<hbm>>
        tpu.enqueue_dma source(%dma_start3A_52 : memref<40xi32, #tpu.memory_space<hbm>>) target(%arg11 : memref<40xi32, #tpu.memory_space<vmem>>) target_semaphore(%run_scoped3A : memref<!tpu.dma_semaphore, #tpu.memory_space<semaphore_mem>>)
        %dma_wait3A = tpu.memref_slice %arg2[%add3A_43] : memref<320000xi32, #tpu.memory_space<hbm>> -> memref<40xi32, #tpu.memory_space<hbm>>
        %dma_wait3A_53 = tpu.memref_slice %arg2[%add3A_43] : memref<320000xi32, #tpu.memory_space<hbm>> -> memref<40xi32, #tpu.memory_space<hbm>>
        tpu.wait_dma2 semaphore(%run_scoped3A : memref<!tpu.dma_semaphore, #tpu.memory_space<semaphore_mem>>) src(%dma_wait3A_53 : memref<40xi32, #tpu.memory_space<hbm>>) dst(%arg11 : memref<40xi32, #tpu.memory_space<vmem>>)
        tpu.yield
      }) : () -> ()
      "tpu.region"() ({
        %run_scoped3A = tpu.sem_alloc : memref<!tpu.dma_semaphore, #tpu.memory_space<semaphore_mem>>
        %dma_start3A_51 = tpu.memref_slice %arg3[%add3A_43] : memref<320000xi32, #tpu.memory_space<hbm>> -> memref<40xi32, #tpu.memory_space<hbm>>
        %dma_start3A_52 = tpu.memref_slice %arg3[%add3A_43] : memref<320000xi32, #tpu.memory_space<hbm>> -> memref<40xi32, #tpu.memory_space<hbm>>
        tpu.enqueue_dma source(%dma_start3A_52 : memref<40xi32, #tpu.memory_space<hbm>>) target(%arg12 : memref<40xi32, #tpu.memory_space<vmem>>) target_semaphore(%run_scoped3A : memref<!tpu.dma_semaphore, #tpu.memory_space<semaphore_mem>>)
        %dma_wait3A = tpu.memref_slice %arg3[%add3A_43] : memref<320000xi32, #tpu.memory_space<hbm>> -> memref<40xi32, #tpu.memory_space<hbm>>
        %dma_wait3A_53 = tpu.memref_slice %arg3[%add3A_43] : memref<320000xi32, #tpu.memory_space<hbm>> -> memref<40xi32, #tpu.memory_space<hbm>>
        tpu.wait_dma2 semaphore(%run_scoped3A : memref<!tpu.dma_semaphore, #tpu.memory_space<semaphore_mem>>) src(%dma_wait3A_53 : memref<40xi32, #tpu.memory_space<hbm>>) dst(%arg12 : memref<40xi32, #tpu.memory_space<vmem>>)
        tpu.yield
      }) : () -> ()
      %dma_start3A = arith.constant 0 : i32
      %dma_start3A_44 = arith.constant 0 : i32
      %dma_start3A_45 = tpu.memref_slice %arg4[%dma_start3A, %dma_start3A_44] : memref<10000x68xf32, #tpu.memory_space<hbm>> -> memref<10000x68xf32, #tpu.memory_space<hbm>>
      tpu.enqueue_indirect_dma source(%dma_start3A_45 : memref<10000x68xf32, #tpu.memory_space<hbm>>) target(%arg13 : memref<40x68xf32, #tpu.memory_space<vmem>>) offsets(%arg11 : memref<40xi32, #tpu.memory_space<vmem>>) semaphore(%arg18 : memref<!tpu.dma_semaphore, #tpu.memory_space<semaphore_mem>>)
      %scan3A = arith.constant 0 : i32
      %scan3A_46 = arith.constant 0 : i32
      %scan3A_47 = arith.constant 250 : i32
      %scan3A_48 = arith.addi %scan3A_46, %scan3A_47 : i32
      %scan3A_49 = arith.constant 1 : i32
      scf.for %scan3A_51 = %scan3A_46 to %scan3A_48 step %scan3A_49  : i32 {
        %mul3A_52 = arith.constant 2 : i32
        %mul3A_53 = arith.muli %mul3A_52, %scan3A_51 : i32
        %add3A_54 = arith.constant 1 : i32
        %add3A_55 = arith.addi %mul3A_53, %add3A_54 : i32
        %mul3A_56 = arith.constant 40 : i32
        %mul3A_57 = arith.muli %add3A_55, %mul3A_56 : i32
        %add3A_58 = arith.addi %mul3A_41, %mul3A_57 : i32
        "tpu.region"() ({
          %run_scoped3A = tpu.sem_alloc : memref<!tpu.dma_semaphore, #tpu.memory_space<semaphore_mem>>
          %dma_start3A_73 = tpu.memref_slice %arg2[%add3A_58] : memref<320000xi32, #tpu.memory_space<hbm>> -> memref<40xi32, #tpu.memory_space<hbm>>
          %dma_start3A_74 = tpu.memref_slice %arg2[%add3A_58] : memref<320000xi32, #tpu.memory_space<hbm>> -> memref<40xi32, #tpu.memory_space<hbm>>
          tpu.enqueue_dma source(%dma_start3A_74 : memref<40xi32, #tpu.memory_space<hbm>>) target(%arg14 : memref<40xi32, #tpu.memory_space<vmem>>) target_semaphore(%run_scoped3A : memref<!tpu.dma_semaphore, #tpu.memory_space<semaphore_mem>>)
          %dma_wait3A_75 = tpu.memref_slice %arg2[%add3A_58] : memref<320000xi32, #tpu.memory_space<hbm>> -> memref<40xi32, #tpu.memory_space<hbm>>
          %dma_wait3A_76 = tpu.memref_slice %arg2[%add3A_58] : memref<320000xi32, #tpu.memory_space<hbm>> -> memref<40xi32, #tpu.memory_space<hbm>>
          tpu.wait_dma2 semaphore(%run_scoped3A : memref<!tpu.dma_semaphore, #tpu.memory_space<semaphore_mem>>) src(%dma_wait3A_76 : memref<40xi32, #tpu.memory_space<hbm>>) dst(%arg14 : memref<40xi32, #tpu.memory_space<vmem>>)
          tpu.yield
        }) : () -> ()
        "tpu.region"() ({
          %run_scoped3A = tpu.sem_alloc : memref<!tpu.dma_semaphore, #tpu.memory_space<semaphore_mem>>
          %dma_start3A_73 = tpu.memref_slice %arg3[%add3A_58] : memref<320000xi32, #tpu.memory_space<hbm>> -> memref<40xi32, #tpu.memory_space<hbm>>
          %dma_start3A_74 = tpu.memref_slice %arg3[%add3A_58] : memref<320000xi32, #tpu.memory_space<hbm>> -> memref<40xi32, #tpu.memory_space<hbm>>
          tpu.enqueue_dma source(%dma_start3A_74 : memref<40xi32, #tpu.memory_space<hbm>>) target(%arg15 : memref<40xi32, #tpu.memory_space<vmem>>) target_semaphore(%run_scoped3A : memref<!tpu.dma_semaphore, #tpu.memory_space<semaphore_mem>>)
          %dma_wait3A_75 = tpu.memref_slice %arg3[%add3A_58] : memref<320000xi32, #tpu.memory_space<hbm>> -> memref<40xi32, #tpu.memory_space<hbm>>
          %dma_wait3A_76 = tpu.memref_slice %arg3[%add3A_58] : memref<320000xi32, #tpu.memory_space<hbm>> -> memref<40xi32, #tpu.memory_space<hbm>>
          tpu.wait_dma2 semaphore(%run_scoped3A : memref<!tpu.dma_semaphore, #tpu.memory_space<semaphore_mem>>) src(%dma_wait3A_76 : memref<40xi32, #tpu.memory_space<hbm>>) dst(%arg15 : memref<40xi32, #tpu.memory_space<vmem>>)
          tpu.yield
        }) : () -> ()
        %dma_start3A_59 = arith.constant 0 : i32
        %dma_start3A_60 = arith.constant 0 : i32
        %dma_start3A_61 = tpu.memref_slice %arg4[%dma_start3A_59, %dma_start3A_60] : memref<10000x68xf32, #tpu.memory_space<hbm>> -> memref<10000x68xf32, #tpu.memory_space<hbm>>
        tpu.enqueue_indirect_dma source(%dma_start3A_61 : memref<10000x68xf32, #tpu.memory_space<hbm>>) target(%arg16 : memref<40x68xf32, #tpu.memory_space<vmem>>) offsets(%arg14 : memref<40xi32, #tpu.memory_space<vmem>>) semaphore(%arg19 : memref<!tpu.dma_semaphore, #tpu.memory_space<semaphore_mem>>)
        %dma_wait3A = arith.constant 0 : i32
        %dma_wait3A_62 = arith.constant 0 : i32
        %dma_wait3A_63 = tpu.memref_slice %arg4[%dma_wait3A, %dma_wait3A_62] : memref<10000x68xf32, #tpu.memory_space<hbm>> -> memref<10000x68xf32, #tpu.memory_space<hbm>>
        tpu.wait_indirect_dma semaphore(%arg18 : memref<!tpu.dma_semaphore, #tpu.memory_space<semaphore_mem>>) src(%dma_wait3A_63 : memref<10000x68xf32, #tpu.memory_space<hbm>>) dst(%arg13 : memref<40x68xf32, #tpu.memory_space<vmem>>)
        "tpu.region"() ({
          %run_scoped3A = tpu.sem_alloc : memref<!tpu.dma_semaphore, #tpu.memory_space<semaphore_mem>>
          %dma_start3A_73 = arith.constant 0 : i32
          %dma_start3A_74 = arith.constant 0 : i32
          %dma_start3A_75 = tpu.memref_slice %arg10[%dma_start3A_73, %dma_start3A_74] : memref<10240x68xf32, #tpu.memory_space<vmem_shared>> -> memref<10240x68xf32, #tpu.memory_space<vmem_shared>>
          tpu.enqueue_indirect_dma source(%arg13 : memref<40x68xf32, #tpu.memory_space<vmem>>) target(%dma_start3A_75 : memref<10240x68xf32, #tpu.memory_space<vmem_shared>>) offsets(%arg12 : memref<40xi32, #tpu.memory_space<vmem>>) semaphore(%run_scoped3A : memref<!tpu.dma_semaphore, #tpu.memory_space<semaphore_mem>>) {add = true}
          %dma_wait3A_76 = arith.constant 0 : i32
          %dma_wait3A_77 = arith.constant 0 : i32
          %dma_wait3A_78 = tpu.memref_slice %arg10[%dma_wait3A_76, %dma_wait3A_77] : memref<10240x68xf32, #tpu.memory_space<vmem_shared>> -> memref<10240x68xf32, #tpu.memory_space<vmem_shared>>
          tpu.wait_indirect_dma semaphore(%run_scoped3A : memref<!tpu.dma_semaphore, #tpu.memory_space<semaphore_mem>>) src(%arg13 : memref<40x68xf32, #tpu.memory_space<vmem>>) dst(%dma_wait3A_78 : memref<10240x68xf32, #tpu.memory_space<vmem_shared>>)
          tpu.yield
        }) : () -> ()
        %add3A_64 = arith.constant 2 : i32
        %add3A_65 = arith.addi %mul3A_53, %add3A_64 : i32
        %lt3A = arith.constant 500 : i32
        %lt3A_66 = arith.cmpi slt, %add3A_65, %lt3A : i32
        %convert_element_type3A_67 = arith.extui %lt3A_66 : i1 to i32
        %cond3A_68 = arith.constant 0 : i32
        %cond3A_69 = arith.cmpi ne, %convert_element_type3A_67, %cond3A_68 : i32
        scf.if %cond3A_69 {
          %add3A_73 = arith.constant 2 : i32
          %add3A_74 = arith.addi %mul3A_53, %add3A_73 : i32
          %mul3A_75 = arith.constant 40 : i32
          %mul3A_76 = arith.muli %add3A_74, %mul3A_75 : i32
          %add3A_77 = arith.addi %mul3A_41, %mul3A_76 : i32
          "tpu.region"() ({
            %run_scoped3A = tpu.sem_alloc : memref<!tpu.dma_semaphore, #tpu.memory_space<semaphore_mem>>
            %dma_start3A_81 = tpu.memref_slice %arg2[%add3A_77] : memref<320000xi32, #tpu.memory_space<hbm>> -> memref<40xi32, #tpu.memory_space<hbm>>
            %dma_start3A_82 = tpu.memref_slice %arg2[%add3A_77] : memref<320000xi32, #tpu.memory_space<hbm>> -> memref<40xi32, #tpu.memory_space<hbm>>
            tpu.enqueue_dma source(%dma_start3A_82 : memref<40xi32, #tpu.memory_space<hbm>>) target(%arg11 : memref<40xi32, #tpu.memory_space<vmem>>) target_semaphore(%run_scoped3A : memref<!tpu.dma_semaphore, #tpu.memory_space<semaphore_mem>>)
            %dma_wait3A_83 = tpu.memref_slice %arg2[%add3A_77] : memref<320000xi32, #tpu.memory_space<hbm>> -> memref<40xi32, #tpu.memory_space<hbm>>
            %dma_wait3A_84 = tpu.memref_slice %arg2[%add3A_77] : memref<320000xi32, #tpu.memory_space<hbm>> -> memref<40xi32, #tpu.memory_space<hbm>>
            tpu.wait_dma2 semaphore(%run_scoped3A : memref<!tpu.dma_semaphore, #tpu.memory_space<semaphore_mem>>) src(%dma_wait3A_84 : memref<40xi32, #tpu.memory_space<hbm>>) dst(%arg11 : memref<40xi32, #tpu.memory_space<vmem>>)
            tpu.yield
          }) : () -> ()
          "tpu.region"() ({
            %run_scoped3A = tpu.sem_alloc : memref<!tpu.dma_semaphore, #tpu.memory_space<semaphore_mem>>
            %dma_start3A_81 = tpu.memref_slice %arg3[%add3A_77] : memref<320000xi32, #tpu.memory_space<hbm>> -> memref<40xi32, #tpu.memory_space<hbm>>
            %dma_start3A_82 = tpu.memref_slice %arg3[%add3A_77] : memref<320000xi32, #tpu.memory_space<hbm>> -> memref<40xi32, #tpu.memory_space<hbm>>
            tpu.enqueue_dma source(%dma_start3A_82 : memref<40xi32, #tpu.memory_space<hbm>>) target(%arg12 : memref<40xi32, #tpu.memory_space<vmem>>) target_semaphore(%run_scoped3A : memref<!tpu.dma_semaphore, #tpu.memory_space<semaphore_mem>>)
            %dma_wait3A_83 = tpu.memref_slice %arg3[%add3A_77] : memref<320000xi32, #tpu.memory_space<hbm>> -> memref<40xi32, #tpu.memory_space<hbm>>
            %dma_wait3A_84 = tpu.memref_slice %arg3[%add3A_77] : memref<320000xi32, #tpu.memory_space<hbm>> -> memref<40xi32, #tpu.memory_space<hbm>>
            tpu.wait_dma2 semaphore(%run_scoped3A : memref<!tpu.dma_semaphore, #tpu.memory_space<semaphore_mem>>) src(%dma_wait3A_84 : memref<40xi32, #tpu.memory_space<hbm>>) dst(%arg12 : memref<40xi32, #tpu.memory_space<vmem>>)
            tpu.yield
          }) : () -> ()
          %dma_start3A_78 = arith.constant 0 : i32
          %dma_start3A_79 = arith.constant 0 : i32
          %dma_start3A_80 = tpu.memref_slice %arg4[%dma_start3A_78, %dma_start3A_79] : memref<10000x68xf32, #tpu.memory_space<hbm>> -> memref<10000x68xf32, #tpu.memory_space<hbm>>
          tpu.enqueue_indirect_dma source(%dma_start3A_80 : memref<10000x68xf32, #tpu.memory_space<hbm>>) target(%arg13 : memref<40x68xf32, #tpu.memory_space<vmem>>) offsets(%arg11 : memref<40xi32, #tpu.memory_space<vmem>>) semaphore(%arg18 : memref<!tpu.dma_semaphore, #tpu.memory_space<semaphore_mem>>)
        } else {
        }
        %dma_wait3A_70 = arith.constant 0 : i32
        %dma_wait3A_71 = arith.constant 0 : i32
        %dma_wait3A_72 = tpu.memref_slice %arg4[%dma_wait3A_70, %dma_wait3A_71] : memref<10000x68xf32, #tpu.memory_space<hbm>> -> memref<10000x68xf32, #tpu.memory_space<hbm>>
        tpu.wait_indirect_dma semaphore(%arg19 : memref<!tpu.dma_semaphore, #tpu.memory_space<semaphore_mem>>) src(%dma_wait3A_72 : memref<10000x68xf32, #tpu.memory_space<hbm>>) dst(%arg16 : memref<40x68xf32, #tpu.memory_space<vmem>>)
        "tpu.region"() ({
          %run_scoped3A = tpu.sem_alloc : memref<!tpu.dma_semaphore, #tpu.memory_space<semaphore_mem>>
          %dma_start3A_73 = arith.constant 0 : i32
          %dma_start3A_74 = arith.constant 0 : i32
          %dma_start3A_75 = tpu.memref_slice %arg10[%dma_start3A_73, %dma_start3A_74] : memref<10240x68xf32, #tpu.memory_space<vmem_shared>> -> memref<10240x68xf32, #tpu.memory_space<vmem_shared>>
          tpu.enqueue_indirect_dma source(%arg16 : memref<40x68xf32, #tpu.memory_space<vmem>>) target(%dma_start3A_75 : memref<10240x68xf32, #tpu.memory_space<vmem_shared>>) offsets(%arg15 : memref<40xi32, #tpu.memory_space<vmem>>) semaphore(%run_scoped3A : memref<!tpu.dma_semaphore, #tpu.memory_space<semaphore_mem>>) {add = true}
          %dma_wait3A_76 = arith.constant 0 : i32
          %dma_wait3A_77 = arith.constant 0 : i32
          %dma_wait3A_78 = tpu.memref_slice %arg10[%dma_wait3A_76, %dma_wait3A_77] : memref<10240x68xf32, #tpu.memory_space<vmem_shared>> -> memref<10240x68xf32, #tpu.memory_space<vmem_shared>>
          tpu.wait_indirect_dma semaphore(%run_scoped3A : memref<!tpu.dma_semaphore, #tpu.memory_space<semaphore_mem>>) src(%arg16 : memref<40x68xf32, #tpu.memory_space<vmem>>) dst(%dma_wait3A_78 : memref<10240x68xf32, #tpu.memory_space<vmem_shared>>)
          tpu.yield
        }) : () -> ()
      }
      %scan3A_50 = arith.constant 250 : i32
    } else {
    }
    %eq3A_34 = arith.constant 1 : i32
    %eq3A_35 = arith.cmpi eq, %arg0, %eq3A_34 : i32
    %convert_element_type3A_36 = arith.extui %eq3A_35 : i1 to i32
    %cond3A_37 = arith.constant 0 : i32
    %cond3A_38 = arith.cmpi ne, %convert_element_type3A_36, %cond3A_37 : i32
    scf.if %cond3A_38 {
      "tpu.region"() ({
        %run_scoped3A = tpu.sem_alloc : memref<!tpu.dma_semaphore, #tpu.memory_space<semaphore_mem>>
        tpu.enqueue_dma source(%arg7 : memref<10000x4xf32, #tpu.memory_space<hbm>>) target(%arg17 : memref<10000x4xf32, #tpu.memory_space<vmem>>) target_semaphore(%run_scoped3A : memref<!tpu.dma_semaphore, #tpu.memory_space<semaphore_mem>>)
        tpu.wait_dma2 semaphore(%run_scoped3A : memref<!tpu.dma_semaphore, #tpu.memory_space<semaphore_mem>>) src(%arg7 : memref<10000x4xf32, #tpu.memory_space<hbm>>) dst(%arg17 : memref<10000x4xf32, #tpu.memory_space<vmem>>)
        tpu.yield
      }) : () -> ()
      %barrier3A_39 = arith.constant 0 : index
      tpu.barrier barrier_id(%barrier3A_39)
      %mul3A_40 = arith.constant 20000 : i32
      %mul3A_41 = arith.muli %arg1, %mul3A_40 : i32
      %add3A_42 = arith.constant 0 : i32
      %add3A_43 = arith.addi %mul3A_41, %add3A_42 : i32
      "tpu.region"() ({
        %run_scoped3A = tpu.sem_alloc : memref<!tpu.dma_semaphore, #tpu.memory_space<semaphore_mem>>
        %dma_start3A_51 = tpu.memref_slice %arg2[%add3A_43] : memref<320000xi32, #tpu.memory_space<hbm>> -> memref<40xi32, #tpu.memory_space<hbm>>
        %dma_start3A_52 = tpu.memref_slice %arg2[%add3A_43] : memref<320000xi32, #tpu.memory_space<hbm>> -> memref<40xi32, #tpu.memory_space<hbm>>
        tpu.enqueue_dma source(%dma_start3A_52 : memref<40xi32, #tpu.memory_space<hbm>>) target(%arg11 : memref<40xi32, #tpu.memory_space<vmem>>) target_semaphore(%run_scoped3A : memref<!tpu.dma_semaphore, #tpu.memory_space<semaphore_mem>>)
        %dma_wait3A = tpu.memref_slice %arg2[%add3A_43] : memref<320000xi32, #tpu.memory_space<hbm>> -> memref<40xi32, #tpu.memory_space<hbm>>
        %dma_wait3A_53 = tpu.memref_slice %arg2[%add3A_43] : memref<320000xi32, #tpu.memory_space<hbm>> -> memref<40xi32, #tpu.memory_space<hbm>>
        tpu.wait_dma2 semaphore(%run_scoped3A : memref<!tpu.dma_semaphore, #tpu.memory_space<semaphore_mem>>) src(%dma_wait3A_53 : memref<40xi32, #tpu.memory_space<hbm>>) dst(%arg11 : memref<40xi32, #tpu.memory_space<vmem>>)
        tpu.yield
      }) : () -> ()
      "tpu.region"() ({
        %run_scoped3A = tpu.sem_alloc : memref<!tpu.dma_semaphore, #tpu.memory_space<semaphore_mem>>
        %dma_start3A_51 = tpu.memref_slice %arg3[%add3A_43] : memref<320000xi32, #tpu.memory_space<hbm>> -> memref<40xi32, #tpu.memory_space<hbm>>
        %dma_start3A_52 = tpu.memref_slice %arg3[%add3A_43] : memref<320000xi32, #tpu.memory_space<hbm>> -> memref<40xi32, #tpu.memory_space<hbm>>
        tpu.enqueue_dma source(%dma_start3A_52 : memref<40xi32, #tpu.memory_space<hbm>>) target(%arg12 : memref<40xi32, #tpu.memory_space<vmem>>) target_semaphore(%run_scoped3A : memref<!tpu.dma_semaphore, #tpu.memory_space<semaphore_mem>>)
        %dma_wait3A = tpu.memref_slice %arg3[%add3A_43] : memref<320000xi32, #tpu.memory_space<hbm>> -> memref<40xi32, #tpu.memory_space<hbm>>
        %dma_wait3A_53 = tpu.memref_slice %arg3[%add3A_43] : memref<320000xi32, #tpu.memory_space<hbm>> -> memref<40xi32, #tpu.memory_space<hbm>>
        tpu.wait_dma2 semaphore(%run_scoped3A : memref<!tpu.dma_semaphore, #tpu.memory_space<semaphore_mem>>) src(%dma_wait3A_53 : memref<40xi32, #tpu.memory_space<hbm>>) dst(%arg12 : memref<40xi32, #tpu.memory_space<vmem>>)
        tpu.yield
      }) : () -> ()
      %dma_start3A = arith.constant 0 : i32
      %dma_start3A_44 = arith.constant 0 : i32
      %dma_start3A_45 = tpu.memref_slice %arg5[%dma_start3A, %dma_start3A_44] : memref<10000x68xf32, #tpu.memory_space<hbm>> -> memref<10000x68xf32, #tpu.memory_space<hbm>>
      tpu.enqueue_indirect_dma source(%dma_start3A_45 : memref<10000x68xf32, #tpu.memory_space<hbm>>) target(%arg13 : memref<40x68xf32, #tpu.memory_space<vmem>>) offsets(%arg11 : memref<40xi32, #tpu.memory_space<vmem>>) semaphore(%arg18 : memref<!tpu.dma_semaphore, #tpu.memory_space<semaphore_mem>>)
      %scan3A = arith.constant 0 : i32
      %scan3A_46 = arith.constant 0 : i32
      %scan3A_47 = arith.constant 250 : i32
      %scan3A_48 = arith.addi %scan3A_46, %scan3A_47 : i32
      %scan3A_49 = arith.constant 1 : i32
      scf.for %scan3A_51 = %scan3A_46 to %scan3A_48 step %scan3A_49  : i32 {
        %mul3A_52 = arith.constant 2 : i32
        %mul3A_53 = arith.muli %mul3A_52, %scan3A_51 : i32
        %add3A_54 = arith.constant 1 : i32
        %add3A_55 = arith.addi %mul3A_53, %add3A_54 : i32
        %mul3A_56 = arith.constant 40 : i32
        %mul3A_57 = arith.muli %add3A_55, %mul3A_56 : i32
        %add3A_58 = arith.addi %mul3A_41, %mul3A_57 : i32
        "tpu.region"() ({
          %run_scoped3A = tpu.sem_alloc : memref<!tpu.dma_semaphore, #tpu.memory_space<semaphore_mem>>
          %dma_start3A_73 = tpu.memref_slice %arg2[%add3A_58] : memref<320000xi32, #tpu.memory_space<hbm>> -> memref<40xi32, #tpu.memory_space<hbm>>
          %dma_start3A_74 = tpu.memref_slice %arg2[%add3A_58] : memref<320000xi32, #tpu.memory_space<hbm>> -> memref<40xi32, #tpu.memory_space<hbm>>
          tpu.enqueue_dma source(%dma_start3A_74 : memref<40xi32, #tpu.memory_space<hbm>>) target(%arg14 : memref<40xi32, #tpu.memory_space<vmem>>) target_semaphore(%run_scoped3A : memref<!tpu.dma_semaphore, #tpu.memory_space<semaphore_mem>>)
          %dma_wait3A_75 = tpu.memref_slice %arg2[%add3A_58] : memref<320000xi32, #tpu.memory_space<hbm>> -> memref<40xi32, #tpu.memory_space<hbm>>
          %dma_wait3A_76 = tpu.memref_slice %arg2[%add3A_58] : memref<320000xi32, #tpu.memory_space<hbm>> -> memref<40xi32, #tpu.memory_space<hbm>>
          tpu.wait_dma2 semaphore(%run_scoped3A : memref<!tpu.dma_semaphore, #tpu.memory_space<semaphore_mem>>) src(%dma_wait3A_76 : memref<40xi32, #tpu.memory_space<hbm>>) dst(%arg14 : memref<40xi32, #tpu.memory_space<vmem>>)
          tpu.yield
        }) : () -> ()
        "tpu.region"() ({
          %run_scoped3A = tpu.sem_alloc : memref<!tpu.dma_semaphore, #tpu.memory_space<semaphore_mem>>
          %dma_start3A_73 = tpu.memref_slice %arg3[%add3A_58] : memref<320000xi32, #tpu.memory_space<hbm>> -> memref<40xi32, #tpu.memory_space<hbm>>
          %dma_start3A_74 = tpu.memref_slice %arg3[%add3A_58] : memref<320000xi32, #tpu.memory_space<hbm>> -> memref<40xi32, #tpu.memory_space<hbm>>
          tpu.enqueue_dma source(%dma_start3A_74 : memref<40xi32, #tpu.memory_space<hbm>>) target(%arg15 : memref<40xi32, #tpu.memory_space<vmem>>) target_semaphore(%run_scoped3A : memref<!tpu.dma_semaphore, #tpu.memory_space<semaphore_mem>>)
          %dma_wait3A_75 = tpu.memref_slice %arg3[%add3A_58] : memref<320000xi32, #tpu.memory_space<hbm>> -> memref<40xi32, #tpu.memory_space<hbm>>
          %dma_wait3A_76 = tpu.memref_slice %arg3[%add3A_58] : memref<320000xi32, #tpu.memory_space<hbm>> -> memref<40xi32, #tpu.memory_space<hbm>>
          tpu.wait_dma2 semaphore(%run_scoped3A : memref<!tpu.dma_semaphore, #tpu.memory_space<semaphore_mem>>) src(%dma_wait3A_76 : memref<40xi32, #tpu.memory_space<hbm>>) dst(%arg15 : memref<40xi32, #tpu.memory_space<vmem>>)
          tpu.yield
        }) : () -> ()
        %dma_start3A_59 = arith.constant 0 : i32
        %dma_start3A_60 = arith.constant 0 : i32
        %dma_start3A_61 = tpu.memref_slice %arg5[%dma_start3A_59, %dma_start3A_60] : memref<10000x68xf32, #tpu.memory_space<hbm>> -> memref<10000x68xf32, #tpu.memory_space<hbm>>
        tpu.enqueue_indirect_dma source(%dma_start3A_61 : memref<10000x68xf32, #tpu.memory_space<hbm>>) target(%arg16 : memref<40x68xf32, #tpu.memory_space<vmem>>) offsets(%arg14 : memref<40xi32, #tpu.memory_space<vmem>>) semaphore(%arg19 : memref<!tpu.dma_semaphore, #tpu.memory_space<semaphore_mem>>)
        %dma_wait3A = arith.constant 0 : i32
        %dma_wait3A_62 = arith.constant 0 : i32
        %dma_wait3A_63 = tpu.memref_slice %arg5[%dma_wait3A, %dma_wait3A_62] : memref<10000x68xf32, #tpu.memory_space<hbm>> -> memref<10000x68xf32, #tpu.memory_space<hbm>>
        tpu.wait_indirect_dma semaphore(%arg18 : memref<!tpu.dma_semaphore, #tpu.memory_space<semaphore_mem>>) src(%dma_wait3A_63 : memref<10000x68xf32, #tpu.memory_space<hbm>>) dst(%arg13 : memref<40x68xf32, #tpu.memory_space<vmem>>)
        "tpu.region"() ({
          %run_scoped3A = tpu.sem_alloc : memref<!tpu.dma_semaphore, #tpu.memory_space<semaphore_mem>>
          %dma_start3A_73 = arith.constant 0 : i32
          %dma_start3A_74 = arith.constant 0 : i32
          %dma_start3A_75 = tpu.memref_slice %arg10[%dma_start3A_73, %dma_start3A_74] : memref<10240x68xf32, #tpu.memory_space<vmem_shared>> -> memref<10240x68xf32, #tpu.memory_space<vmem_shared>>
          tpu.enqueue_indirect_dma source(%arg13 : memref<40x68xf32, #tpu.memory_space<vmem>>) target(%dma_start3A_75 : memref<10240x68xf32, #tpu.memory_space<vmem_shared>>) offsets(%arg12 : memref<40xi32, #tpu.memory_space<vmem>>) semaphore(%run_scoped3A : memref<!tpu.dma_semaphore, #tpu.memory_space<semaphore_mem>>) {add = true}
          %dma_wait3A_76 = arith.constant 0 : i32
          %dma_wait3A_77 = arith.constant 0 : i32
          %dma_wait3A_78 = tpu.memref_slice %arg10[%dma_wait3A_76, %dma_wait3A_77] : memref<10240x68xf32, #tpu.memory_space<vmem_shared>> -> memref<10240x68xf32, #tpu.memory_space<vmem_shared>>
          tpu.wait_indirect_dma semaphore(%run_scoped3A : memref<!tpu.dma_semaphore, #tpu.memory_space<semaphore_mem>>) src(%arg13 : memref<40x68xf32, #tpu.memory_space<vmem>>) dst(%dma_wait3A_78 : memref<10240x68xf32, #tpu.memory_space<vmem_shared>>)
          tpu.yield
        }) : () -> ()
        %add3A_64 = arith.constant 2 : i32
        %add3A_65 = arith.addi %mul3A_53, %add3A_64 : i32
        %lt3A = arith.constant 500 : i32
        %lt3A_66 = arith.cmpi slt, %add3A_65, %lt3A : i32
        %convert_element_type3A_67 = arith.extui %lt3A_66 : i1 to i32
        %cond3A_68 = arith.constant 0 : i32
        %cond3A_69 = arith.cmpi ne, %convert_element_type3A_67, %cond3A_68 : i32
        scf.if %cond3A_69 {
          %add3A_73 = arith.constant 2 : i32
          %add3A_74 = arith.addi %mul3A_53, %add3A_73 : i32
          %mul3A_75 = arith.constant 40 : i32
          %mul3A_76 = arith.muli %add3A_74, %mul3A_75 : i32
          %add3A_77 = arith.addi %mul3A_41, %mul3A_76 : i32
          "tpu.region"() ({
            %run_scoped3A = tpu.sem_alloc : memref<!tpu.dma_semaphore, #tpu.memory_space<semaphore_mem>>
            %dma_start3A_81 = tpu.memref_slice %arg2[%add3A_77] : memref<320000xi32, #tpu.memory_space<hbm>> -> memref<40xi32, #tpu.memory_space<hbm>>
            %dma_start3A_82 = tpu.memref_slice %arg2[%add3A_77] : memref<320000xi32, #tpu.memory_space<hbm>> -> memref<40xi32, #tpu.memory_space<hbm>>
            tpu.enqueue_dma source(%dma_start3A_82 : memref<40xi32, #tpu.memory_space<hbm>>) target(%arg11 : memref<40xi32, #tpu.memory_space<vmem>>) target_semaphore(%run_scoped3A : memref<!tpu.dma_semaphore, #tpu.memory_space<semaphore_mem>>)
            %dma_wait3A_83 = tpu.memref_slice %arg2[%add3A_77] : memref<320000xi32, #tpu.memory_space<hbm>> -> memref<40xi32, #tpu.memory_space<hbm>>
            %dma_wait3A_84 = tpu.memref_slice %arg2[%add3A_77] : memref<320000xi32, #tpu.memory_space<hbm>> -> memref<40xi32, #tpu.memory_space<hbm>>
            tpu.wait_dma2 semaphore(%run_scoped3A : memref<!tpu.dma_semaphore, #tpu.memory_space<semaphore_mem>>) src(%dma_wait3A_84 : memref<40xi32, #tpu.memory_space<hbm>>) dst(%arg11 : memref<40xi32, #tpu.memory_space<vmem>>)
            tpu.yield
          }) : () -> ()
          "tpu.region"() ({
            %run_scoped3A = tpu.sem_alloc : memref<!tpu.dma_semaphore, #tpu.memory_space<semaphore_mem>>
            %dma_start3A_81 = tpu.memref_slice %arg3[%add3A_77] : memref<320000xi32, #tpu.memory_space<hbm>> -> memref<40xi32, #tpu.memory_space<hbm>>
            %dma_start3A_82 = tpu.memref_slice %arg3[%add3A_77] : memref<320000xi32, #tpu.memory_space<hbm>> -> memref<40xi32, #tpu.memory_space<hbm>>
            tpu.enqueue_dma source(%dma_start3A_82 : memref<40xi32, #tpu.memory_space<hbm>>) target(%arg12 : memref<40xi32, #tpu.memory_space<vmem>>) target_semaphore(%run_scoped3A : memref<!tpu.dma_semaphore, #tpu.memory_space<semaphore_mem>>)
            %dma_wait3A_83 = tpu.memref_slice %arg3[%add3A_77] : memref<320000xi32, #tpu.memory_space<hbm>> -> memref<40xi32, #tpu.memory_space<hbm>>
            %dma_wait3A_84 = tpu.memref_slice %arg3[%add3A_77] : memref<320000xi32, #tpu.memory_space<hbm>> -> memref<40xi32, #tpu.memory_space<hbm>>
            tpu.wait_dma2 semaphore(%run_scoped3A : memref<!tpu.dma_semaphore, #tpu.memory_space<semaphore_mem>>) src(%dma_wait3A_84 : memref<40xi32, #tpu.memory_space<hbm>>) dst(%arg12 : memref<40xi32, #tpu.memory_space<vmem>>)
            tpu.yield
          }) : () -> ()
          %dma_start3A_78 = arith.constant 0 : i32
          %dma_start3A_79 = arith.constant 0 : i32
          %dma_start3A_80 = tpu.memref_slice %arg5[%dma_start3A_78, %dma_start3A_79] : memref<10000x68xf32, #tpu.memory_space<hbm>> -> memref<10000x68xf32, #tpu.memory_space<hbm>>
          tpu.enqueue_indirect_dma source(%dma_start3A_80 : memref<10000x68xf32, #tpu.memory_space<hbm>>) target(%arg13 : memref<40x68xf32, #tpu.memory_space<vmem>>) offsets(%arg11 : memref<40xi32, #tpu.memory_space<vmem>>) semaphore(%arg18 : memref<!tpu.dma_semaphore, #tpu.memory_space<semaphore_mem>>)
        } else {
        }
        %dma_wait3A_70 = arith.constant 0 : i32
        %dma_wait3A_71 = arith.constant 0 : i32
        %dma_wait3A_72 = tpu.memref_slice %arg5[%dma_wait3A_70, %dma_wait3A_71] : memref<10000x68xf32, #tpu.memory_space<hbm>> -> memref<10000x68xf32, #tpu.memory_space<hbm>>
        tpu.wait_indirect_dma semaphore(%arg19 : memref<!tpu.dma_semaphore, #tpu.memory_space<semaphore_mem>>) src(%dma_wait3A_72 : memref<10000x68xf32, #tpu.memory_space<hbm>>) dst(%arg16 : memref<40x68xf32, #tpu.memory_space<vmem>>)
        "tpu.region"() ({
          %run_scoped3A = tpu.sem_alloc : memref<!tpu.dma_semaphore, #tpu.memory_space<semaphore_mem>>
          %dma_start3A_73 = arith.constant 0 : i32
          %dma_start3A_74 = arith.constant 0 : i32
          %dma_start3A_75 = tpu.memref_slice %arg10[%dma_start3A_73, %dma_start3A_74] : memref<10240x68xf32, #tpu.memory_space<vmem_shared>> -> memref<10240x68xf32, #tpu.memory_space<vmem_shared>>
          tpu.enqueue_indirect_dma source(%arg16 : memref<40x68xf32, #tpu.memory_space<vmem>>) target(%dma_start3A_75 : memref<10240x68xf32, #tpu.memory_space<vmem_shared>>) offsets(%arg15 : memref<40xi32, #tpu.memory_space<vmem>>) semaphore(%run_scoped3A : memref<!tpu.dma_semaphore, #tpu.memory_space<semaphore_mem>>) {add = true}
          %dma_wait3A_76 = arith.constant 0 : i32
          %dma_wait3A_77 = arith.constant 0 : i32
          %dma_wait3A_78 = tpu.memref_slice %arg10[%dma_wait3A_76, %dma_wait3A_77] : memref<10240x68xf32, #tpu.memory_space<vmem_shared>> -> memref<10240x68xf32, #tpu.memory_space<vmem_shared>>
          tpu.wait_indirect_dma semaphore(%run_scoped3A : memref<!tpu.dma_semaphore, #tpu.memory_space<semaphore_mem>>) src(%arg16 : memref<40x68xf32, #tpu.memory_space<vmem>>) dst(%dma_wait3A_78 : memref<10240x68xf32, #tpu.memory_space<vmem_shared>>)
          tpu.yield
        }) : () -> ()
      }
      %scan3A_50 = arith.constant 250 : i32
    } else {
    }
    %barrier3A = arith.constant 0 : index
    tpu.barrier barrier_id(%barrier3A)
    "tpu.region"() ({
      %run_scoped3A = tpu.sem_alloc : memref<!tpu.dma_semaphore, #tpu.memory_space<semaphore_mem>>
      %dma_start3A = arith.constant 0 : i32
      %dma_start3A_39 = arith.constant 0 : i32
      %dma_start3A_40 = tpu.memref_slice %arg9[%arg0, %dma_start3A, %dma_start3A_39] : memref<2x10240x68xf32, #tpu.memory_space<hbm>> -> memref<1x10240x68xf32, #tpu.memory_space<hbm>>
      %dma_start3A_41 = tpu.memref_squeeze %dma_start3A_40 : memref<1x10240x68xf32, #tpu.memory_space<hbm>> -> memref<10240x68xf32, #tpu.memory_space<hbm>>
      %dma_start3A_42 = arith.constant 0 : i32
      %dma_start3A_43 = tpu.memref_slice %dma_start3A_41[%mul3A_0, %dma_start3A_42] : memref<10240x68xf32, #tpu.memory_space<hbm>> -> memref<640x68xf32, #tpu.memory_space<hbm>>
      %dma_start3A_44 = arith.constant 0 : i32
      %dma_start3A_45 = tpu.memref_slice %arg10[%mul3A_0, %dma_start3A_44] : memref<10240x68xf32, #tpu.memory_space<vmem_shared>> -> memref<640x68xf32, #tpu.memory_space<vmem_shared>>
      tpu.enqueue_dma source(%dma_start3A_45 : memref<640x68xf32, #tpu.memory_space<vmem_shared>>) target(%dma_start3A_43 : memref<640x68xf32, #tpu.memory_space<hbm>>) target_semaphore(%run_scoped3A : memref<!tpu.dma_semaphore, #tpu.memory_space<semaphore_mem>>)
      %dma_wait3A = arith.constant 0 : i32
      %dma_wait3A_46 = arith.constant 0 : i32
      %dma_wait3A_47 = tpu.memref_slice %arg9[%arg0, %dma_wait3A, %dma_wait3A_46] : memref<2x10240x68xf32, #tpu.memory_space<hbm>> -> memref<1x10240x68xf32, #tpu.memory_space<hbm>>
      %dma_wait3A_48 = tpu.memref_squeeze %dma_wait3A_47 : memref<1x10240x68xf32, #tpu.memory_space<hbm>> -> memref<10240x68xf32, #tpu.memory_space<hbm>>
      %dma_wait3A_49 = arith.constant 0 : i32
      %dma_wait3A_50 = tpu.memref_slice %dma_wait3A_48[%mul3A_0, %dma_wait3A_49] : memref<10240x68xf32, #tpu.memory_space<hbm>> -> memref<640x68xf32, #tpu.memory_space<hbm>>
      %dma_wait3A_51 = arith.constant 0 : i32
      %dma_wait3A_52 = tpu.memref_slice %arg10[%mul3A_0, %dma_wait3A_51] : memref<10240x68xf32, #tpu.memory_space<vmem_shared>> -> memref<640x68xf32, #tpu.memory_space<vmem_shared>>
      tpu.wait_dma2 semaphore(%run_scoped3A : memref<!tpu.dma_semaphore, #tpu.memory_space<semaphore_mem>>) src(%dma_wait3A_52 : memref<640x68xf32, #tpu.memory_space<vmem_shared>>) dst(%dma_wait3A_50 : memref<640x68xf32, #tpu.memory_space<hbm>>)
      tpu.yield
    }) : () -> ()
    return
  }
}

module attributes {stable_mosaic.version = 14 : i64} {
  func.func @_mm_body(%arg0: i32, %arg1: memref<2000x128xf32, #tpu.memory_space<vmem>>, %arg2: memref<128x128xf32, #tpu.memory_space<vmem>>, %arg3: memref<128x16xf32, #tpu.memory_space<vmem>>, %arg4: memref<2000x68xf32, #tpu.memory_space<vmem>>, %arg5: memref<2000x68xf32, #tpu.memory_space<vmem>>, %arg6: memref<2000x4xf32, #tpu.memory_space<vmem>>, %arg7: memref<2000x4xf32, #tpu.memory_space<vmem>>) attributes {dimension_semantics = [#tpu.dimension_semantics<arbitrary>], iteration_bounds = array<i64: 5>, scalar_prefetch = 0 : i64, scratch_operands = 0 : i64, tpu.core_type = #tpu.core_type<tc>, window_params = [{transform_indices = @transform_0, window_bounds = array<i64: 2000, 128>}, {pipeline_mode = #tpu.pipeline_mode<synchronous>, transform_indices = @transform_1, window_bounds = array<i64: 128, 128>}, {pipeline_mode = #tpu.pipeline_mode<synchronous>, transform_indices = @transform_2, window_bounds = array<i64: 128, 16>}, {transform_indices = @transform_3, window_bounds = array<i64: 2000, 68>}, {transform_indices = @transform_4, window_bounds = array<i64: 2000, 68>}, {transform_indices = @transform_5, window_bounds = array<i64: 2000, 4>}, {transform_indices = @transform_6, window_bounds = array<i64: 2000, 4>}]} {
    %get3A = arith.constant 0 : index
    %get3A_0 = arith.constant 0 : index
    %get3A_1 = vector.load %arg1[%get3A, %get3A_0] : memref<2000x128xf32, #tpu.memory_space<vmem>>, vector<2000x128xf32>
    %get3A_2 = arith.constant 0 : index
    %get3A_3 = arith.constant 0 : index
    %get3A_4 = vector.load %arg2[%get3A_2, %get3A_3] : memref<128x128xf32, #tpu.memory_space<vmem>>, vector<128x128xf32>
    %dot_general3A = arith.constant dense<0.000000e+00> : vector<2000x128xf32>
    %dot_general3A_5 = tpu.matmul %get3A_1, %get3A_4, %dot_general3A {dimension_numbers = #tpu.dot_dimension_numbers<[1], [0], [0], [1], [0, 0, 1, 1], [], []>, precision = #tpu.contract_precision<fp32>, transpose_lhs_hint = false} : vector<2000x128xf32>, vector<128x128xf32>, vector<2000x128xf32> -> vector<2000x128xf32>
    %get3A_6 = arith.constant 0 : index
    %get3A_7 = arith.constant 0 : index
    %get3A_8 = vector.load %arg3[%get3A_6, %get3A_7] : memref<128x16xf32, #tpu.memory_space<vmem>>, vector<128x16xf32>
    %dot_general3A_9 = arith.constant dense<0.000000e+00> : vector<2000x16xf32>
    %dot_general3A_10 = tpu.matmul %dot_general3A_5, %get3A_8, %dot_general3A_9 {dimension_numbers = #tpu.dot_dimension_numbers<[1], [0], [0], [1], [0, 0, 1, 1], [], []>, precision = #tpu.contract_precision<fp32>, transpose_lhs_hint = false} : vector<2000x128xf32>, vector<128x16xf32>, vector<2000x16xf32> -> vector<2000x16xf32>
    %slice3A = vector.extract_strided_slice %dot_general3A_5 {offsets = [0, 0], sizes = [2000, 64], strides = [1, 1]} : vector<2000x128xf32> to vector<2000x64xf32>
    %slice3A_11 = vector.extract_strided_slice %dot_general3A_10 {offsets = [0, 0], sizes = [2000, 4], strides = [1, 1]} : vector<2000x16xf32> to vector<2000x4xf32>
    %concatenate3A = tpu.concatenate %slice3A, %slice3A_11 in 1 : vector<2000x64xf32>, vector<2000x4xf32> -> vector<2000x68xf32>
    %swap3A = arith.constant 0 : index
    %swap3A_12 = arith.constant 0 : index
    %swap3A_13 = vector.load %arg4[%swap3A, %swap3A_12] : memref<2000x68xf32, #tpu.memory_space<vmem>>, vector<2000x68xf32>
    tpu.vector_store %arg4[%swap3A, %swap3A_12], %concatenate3A {strides = array<i32>} : memref<2000x68xf32, #tpu.memory_space<vmem>>, vector<2000x68xf32>,
    %slice3A_14 = vector.extract_strided_slice %dot_general3A_5 {offsets = [0, 64], sizes = [2000, 64], strides = [1, 1]} : vector<2000x128xf32> to vector<2000x64xf32>
    %slice3A_15 = vector.extract_strided_slice %dot_general3A_10 {offsets = [0, 4], sizes = [2000, 4], strides = [1, 1]} : vector<2000x16xf32> to vector<2000x4xf32>
    %concatenate3A_16 = tpu.concatenate %slice3A_14, %slice3A_15 in 1 : vector<2000x64xf32>, vector<2000x4xf32> -> vector<2000x68xf32>
    %swap3A_17 = arith.constant 0 : index
    %swap3A_18 = arith.constant 0 : index
    %swap3A_19 = vector.load %arg5[%swap3A_17, %swap3A_18] : memref<2000x68xf32, #tpu.memory_space<vmem>>, vector<2000x68xf32>
    tpu.vector_store %arg5[%swap3A_17, %swap3A_18], %concatenate3A_16 {strides = array<i32>} : memref<2000x68xf32, #tpu.memory_space<vmem>>, vector<2000x68xf32>,
    %slice3A_20 = vector.extract_strided_slice %dot_general3A_10 {offsets = [0, 8], sizes = [2000, 4], strides = [1, 1]} : vector<2000x16xf32> to vector<2000x4xf32>
    %swap3A_21 = arith.constant 0 : index
    %swap3A_22 = arith.constant 0 : index
    %swap3A_23 = vector.load %arg6[%swap3A_21, %swap3A_22] : memref<2000x4xf32, #tpu.memory_space<vmem>>, vector<2000x4xf32>
    tpu.vector_store %arg6[%swap3A_21, %swap3A_22], %slice3A_20 {strides = array<i32>} : memref<2000x4xf32, #tpu.memory_space<vmem>>, vector<2000x4xf32>,
    %slice3A_24 = vector.extract_strided_slice %dot_general3A_10 {offsets = [0, 12], sizes = [2000, 4], strides = [1, 1]} : vector<2000x16xf32> to vector<2000x4xf32>
    %swap3A_25 = arith.constant 0 : index
    %swap3A_26 = arith.constant 0 : index
    %swap3A_27 = vector.load %arg7[%swap3A_25, %swap3A_26] : memref<2000x4xf32, #tpu.memory_space<vmem>>, vector<2000x4xf32>
    tpu.vector_store %arg7[%swap3A_25, %swap3A_26], %slice3A_24 {strides = array<i32>} : memref<2000x4xf32, #tpu.memory_space<vmem>>, vector<2000x4xf32>,
    return
  }
  func.func @transform_0(%arg0: i32) -> (i32, i32) {
    %c0_i32 = arith.constant 0 : i32
    %c0_i32_0 = arith.constant 0 : i32
    return %arg0, %c0_i32 : i32, i32
  }
  func.func @transform_1(%arg0: i32) -> (i32, i32) {
    %c0_i32 = arith.constant 0 : i32
    %c0_i32_0 = arith.constant 0 : i32
    %c0_i32_1 = arith.constant 0 : i32
    return %c0_i32, %c0_i32_0 : i32, i32
  }
  func.func @transform_2(%arg0: i32) -> (i32, i32) {
    %c0_i32 = arith.constant 0 : i32
    %c0_i32_0 = arith.constant 0 : i32
    %c0_i32_1 = arith.constant 0 : i32
    return %c0_i32, %c0_i32_0 : i32, i32
  }
  func.func @transform_3(%arg0: i32) -> (i32, i32) {
    %c0_i32 = arith.constant 0 : i32
    %c0_i32_0 = arith.constant 0 : i32
    return %arg0, %c0_i32 : i32, i32
  }
  func.func @transform_4(%arg0: i32) -> (i32, i32) {
    %c0_i32 = arith.constant 0 : i32
    %c0_i32_0 = arith.constant 0 : i32
    return %arg0, %c0_i32 : i32, i32
  }
  func.func @transform_5(%arg0: i32) -> (i32, i32) {
    %c0_i32 = arith.constant 0 : i32
    %c0_i32_0 = arith.constant 0 : i32
    return %arg0, %c0_i32 : i32, i32
  }
  func.func @transform_6(%arg0: i32) -> (i32, i32) {
    %c0_i32 = arith.constant 0 : i32
    %c0_i32_0 = arith.constant 0 : i32
    return %arg0, %c0_i32 : i32, i32
  }
}

module attributes {stable_mosaic.version = 14 : i64} {
  func.func @_f1_body(%arg0: i32, %arg1: memref<2x2000x68xf32, #tpu.memory_space<vmem>>, %arg2: memref<2000x68xf32, #tpu.memory_space<vmem>>, %arg3: memref<2000x68xf32, #tpu.memory_space<vmem>>, %arg4: memref<2000x4xf32, #tpu.memory_space<vmem>>, %arg5: memref<2000x4xf32, #tpu.memory_space<vmem>>, %arg6: memref<4x64xf32, #tpu.memory_space<vmem>>, %arg7: memref<1x128xf32, #tpu.memory_space<vmem>>, %arg8: memref<2000x128xf32, #tpu.memory_space<vmem>>) attributes {dimension_semantics = [#tpu.dimension_semantics<arbitrary>], iteration_bounds = array<i64: 5>, scalar_prefetch = 0 : i64, scratch_operands = 0 : i64, tpu.core_type = #tpu.core_type<tc>, window_params = [{transform_indices = @transform_0, window_bounds = array<i64: 2, 2000, 68>}, {transform_indices = @transform_1, window_bounds = array<i64: 2000, 68>}, {transform_indices = @transform_2, window_bounds = array<i64: 2000, 68>}, {transform_indices = @transform_3, window_bounds = array<i64: 2000, 4>}, {transform_indices = @transform_4, window_bounds = array<i64: 2000, 4>}, {pipeline_mode = #tpu.pipeline_mode<synchronous>, transform_indices = @transform_5, window_bounds = array<i64: 4, 64>}, {pipeline_mode = #tpu.pipeline_mode<synchronous>, transform_indices = @transform_6, window_bounds = array<i64: 1, 128>}, {transform_indices = @transform_7, window_bounds = array<i64: 2000, 128>}]} {
    %get3A = arith.constant 0 : index
    %get3A_0 = arith.constant 0 : index
    %get3A_1 = vector.load %arg6[%get3A, %get3A_0] : memref<4x64xf32, #tpu.memory_space<vmem>>, vector<4x64xf32>
    %get3A_2 = arith.constant 0 : index
    %get3A_3 = arith.constant 0 : index
    %get3A_4 = arith.constant 0 : index
    %get3A_5 = vector.load %arg1[%get3A_2, %get3A_3, %get3A_4] : memref<2x2000x68xf32, #tpu.memory_space<vmem>>, vector<1x2000x68xf32>
    %get3A_6 = vector.shape_cast %get3A_5 : vector<1x2000x68xf32> to vector<2000x68xf32>
    %get3A_7 = arith.constant 0 : index
    %get3A_8 = arith.constant 0 : index
    %get3A_9 = vector.load %arg2[%get3A_7, %get3A_8] : memref<2000x68xf32, #tpu.memory_space<vmem>>, vector<2000x68xf32>
    %slice3A = vector.extract_strided_slice %get3A_9 {offsets = [0, 64], sizes = [2000, 4], strides = [1, 1]} : vector<2000x68xf32> to vector<2000x4xf32>
    %get3A_10 = arith.constant 0 : index
    %get3A_11 = arith.constant 0 : index
    %get3A_12 = vector.load %arg4[%get3A_10, %get3A_11] : memref<2000x4xf32, #tpu.memory_space<vmem>>, vector<2000x4xf32>
    %add3A = arith.addf %slice3A, %get3A_12 : vector<2000x4xf32>
    %ge3A = arith.constant 0.000000e+00 : f32
    %ge3A_13 = vector.broadcast %ge3A : f32 to vector<2000x4xf32>
    %ge3A_14 = arith.cmpf oge, %add3A, %ge3A_13 : vector<2000x4xf32>
    %mul3A = arith.constant 2.000000e-01 : f32
    %mul3A_15 = vector.broadcast %mul3A : f32 to vector<2000x4xf32>
    %mul3A_16 = arith.mulf %mul3A_15, %add3A : vector<2000x4xf32>
    %select_n3A = arith.select %ge3A_14, %add3A, %mul3A_16 : vector<2000x4xi1>, vector<2000x4xf32>
    %exp3A = math.exp %select_n3A : vector<2000x4xf32>
    %slice3A_17 = vector.extract_strided_slice %get3A_6 {offsets = [0, 64], sizes = [2000, 4], strides = [1, 1]} : vector<2000x68xf32> to vector<2000x4xf32>
    %add3A_18 = arith.addf %slice3A_17, %exp3A : vector<2000x4xf32>
    %add3A_19 = arith.constant 1.000000e-16 : f32
    %add3A_20 = vector.broadcast %add3A_19 : f32 to vector<2000x4xf32>
    %add3A_21 = arith.addf %add3A_18, %add3A_20 : vector<2000x4xf32>
    %dot_general3A = arith.constant dense<0.000000e+00> : vector<2000x64xf32>
    %dot_general3A_22 = tpu.matmul %exp3A, %get3A_1, %dot_general3A {dimension_numbers = #tpu.dot_dimension_numbers<[1], [0], [0], [1], [0, 0, 1, 1], [], []>, precision = #tpu.contract_precision<fp32>, transpose_lhs_hint = false} : vector<2000x4xf32>, vector<4x64xf32>, vector<2000x64xf32> -> vector<2000x64xf32>
    %dot_general3A_23 = arith.constant dense<0.000000e+00> : vector<2000x64xf32>
    %dot_general3A_24 = tpu.matmul %add3A_21, %get3A_1, %dot_general3A_23 {dimension_numbers = #tpu.dot_dimension_numbers<[1], [0], [0], [1], [0, 0, 1, 1], [], []>, precision = #tpu.contract_precision<fp32>, transpose_lhs_hint = false} : vector<2000x4xf32>, vector<4x64xf32>, vector<2000x64xf32> -> vector<2000x64xf32>
    %slice3A_25 = vector.extract_strided_slice %get3A_6 {offsets = [0, 0], sizes = [2000, 64], strides = [1, 1]} : vector<2000x68xf32> to vector<2000x64xf32>
    %slice3A_26 = vector.extract_strided_slice %get3A_9 {offsets = [0, 0], sizes = [2000, 64], strides = [1, 1]} : vector<2000x68xf32> to vector<2000x64xf32>
    %mul3A_27 = arith.mulf %dot_general3A_22, %slice3A_26 : vector<2000x64xf32>
    %add3A_28 = arith.addf %slice3A_25, %mul3A_27 : vector<2000x64xf32>
    %div3A = arith.divf %add3A_28, %dot_general3A_24 : vector<2000x64xf32>
    %get3A_29 = arith.constant 1 : index
    %get3A_30 = arith.constant 0 : index
    %get3A_31 = arith.constant 0 : index
    %get3A_32 = vector.load %arg1[%get3A_29, %get3A_30, %get3A_31] : memref<2x2000x68xf32, #tpu.memory_space<vmem>>, vector<1x2000x68xf32>
    %get3A_33 = vector.shape_cast %get3A_32 : vector<1x2000x68xf32> to vector<2000x68xf32>
    %get3A_34 = arith.constant 0 : index
    %get3A_35 = arith.constant 0 : index
    %get3A_36 = vector.load %arg3[%get3A_34, %get3A_35] : memref<2000x68xf32, #tpu.memory_space<vmem>>, vector<2000x68xf32>
    %slice3A_37 = vector.extract_strided_slice %get3A_36 {offsets = [0, 64], sizes = [2000, 4], strides = [1, 1]} : vector<2000x68xf32> to vector<2000x4xf32>
    %get3A_38 = arith.constant 0 : index
    %get3A_39 = arith.constant 0 : index
    %get3A_40 = vector.load %arg5[%get3A_38, %get3A_39] : memref<2000x4xf32, #tpu.memory_space<vmem>>, vector<2000x4xf32>
    %add3A_41 = arith.addf %slice3A_37, %get3A_40 : vector<2000x4xf32>
    %ge3A_42 = arith.constant 0.000000e+00 : f32
    %ge3A_43 = vector.broadcast %ge3A_42 : f32 to vector<2000x4xf32>
    %ge3A_44 = arith.cmpf oge, %add3A_41, %ge3A_43 : vector<2000x4xf32>
    %mul3A_45 = arith.constant 2.000000e-01 : f32
    %mul3A_46 = vector.broadcast %mul3A_45 : f32 to vector<2000x4xf32>
    %mul3A_47 = arith.mulf %mul3A_46, %add3A_41 : vector<2000x4xf32>
    %select_n3A_48 = arith.select %ge3A_44, %add3A_41, %mul3A_47 : vector<2000x4xi1>, vector<2000x4xf32>
    %exp3A_49 = math.exp %select_n3A_48 : vector<2000x4xf32>
    %slice3A_50 = vector.extract_strided_slice %get3A_33 {offsets = [0, 64], sizes = [2000, 4], strides = [1, 1]} : vector<2000x68xf32> to vector<2000x4xf32>
    %add3A_51 = arith.addf %slice3A_50, %exp3A_49 : vector<2000x4xf32>
    %add3A_52 = arith.constant 1.000000e-16 : f32
    %add3A_53 = vector.broadcast %add3A_52 : f32 to vector<2000x4xf32>
    %add3A_54 = arith.addf %add3A_51, %add3A_53 : vector<2000x4xf32>
    %dot_general3A_55 = arith.constant dense<0.000000e+00> : vector<2000x64xf32>
    %dot_general3A_56 = tpu.matmul %exp3A_49, %get3A_1, %dot_general3A_55 {dimension_numbers = #tpu.dot_dimension_numbers<[1], [0], [0], [1], [0, 0, 1, 1], [], []>, precision = #tpu.contract_precision<fp32>, transpose_lhs_hint = false} : vector<2000x4xf32>, vector<4x64xf32>, vector<2000x64xf32> -> vector<2000x64xf32>
    %dot_general3A_57 = arith.constant dense<0.000000e+00> : vector<2000x64xf32>
    %dot_general3A_58 = tpu.matmul %add3A_54, %get3A_1, %dot_general3A_57 {dimension_numbers = #tpu.dot_dimension_numbers<[1], [0], [0], [1], [0, 0, 1, 1], [], []>, precision = #tpu.contract_precision<fp32>, transpose_lhs_hint = false} : vector<2000x4xf32>, vector<4x64xf32>, vector<2000x64xf32> -> vector<2000x64xf32>
    %slice3A_59 = vector.extract_strided_slice %get3A_33 {offsets = [0, 0], sizes = [2000, 64], strides = [1, 1]} : vector<2000x68xf32> to vector<2000x64xf32>
    %slice3A_60 = vector.extract_strided_slice %get3A_36 {offsets = [0, 0], sizes = [2000, 64], strides = [1, 1]} : vector<2000x68xf32> to vector<2000x64xf32>
    %mul3A_61 = arith.mulf %dot_general3A_56, %slice3A_60 : vector<2000x64xf32>
    %add3A_62 = arith.addf %slice3A_59, %mul3A_61 : vector<2000x64xf32>
    %div3A_63 = arith.divf %add3A_62, %dot_general3A_58 : vector<2000x64xf32>
    %concatenate3A = tpu.concatenate %div3A, %div3A_63 in 1 : vector<2000x64xf32>, vector<2000x64xf32> -> vector<2000x128xf32>
    %get3A_64 = arith.constant 0 : index
    %get3A_65 = arith.constant 0 : index
    %get3A_66 = vector.load %arg7[%get3A_64, %get3A_65] : memref<1x128xf32, #tpu.memory_space<vmem>>, vector<1x128xf32>
    %add3A_67 = vector.broadcast %get3A_66 : vector<1x128xf32> to vector<2000x128xf32>
    %add3A_68 = arith.addf %concatenate3A, %add3A_67 : vector<2000x128xf32>
    %gt3A = arith.constant 0.000000e+00 : f32
    %gt3A_69 = vector.broadcast %gt3A : f32 to vector<2000x128xf32>
    %gt3A_70 = arith.cmpf ogt, %add3A_68, %gt3A_69 : vector<2000x128xf32>
    %min3A = arith.constant 0.000000e+00 : f32
    %min3A_71 = vector.broadcast %min3A : f32 to vector<2000x128xf32>
    %min3A_72 = arith.minimumf %add3A_68, %min3A_71 : vector<2000x128xf32>
    %exp3A_73 = math.exp %min3A_72 : vector<2000x128xf32>
    %sub3A = arith.constant 1.000000e+00 : f32
    %sub3A_74 = vector.broadcast %sub3A : f32 to vector<2000x128xf32>
    %sub3A_75 = arith.subf %exp3A_73, %sub3A_74 : vector<2000x128xf32>
    %select_n3A_76 = arith.select %gt3A_70, %add3A_68, %sub3A_75 : vector<2000x128xi1>, vector<2000x128xf32>
    %swap3A = arith.constant 0 : index
    %swap3A_77 = arith.constant 0 : index
    %swap3A_78 = vector.load %arg8[%swap3A, %swap3A_77] : memref<2000x128xf32, #tpu.memory_space<vmem>>, vector<2000x128xf32>
    tpu.vector_store %arg8[%swap3A, %swap3A_77], %select_n3A_76 {strides = array<i32>} : memref<2000x128xf32, #tpu.memory_space<vmem>>, vector<2000x128xf32>,
    return
  }
  func.func @transform_0(%arg0: i32) -> (i32, i32, i32) {
    %c0_i32 = arith.constant 0 : i32
    %c0_i32_0 = arith.constant 0 : i32
    %c0_i32_1 = arith.constant 0 : i32
    return %c0_i32, %arg0, %c0_i32_0 : i32, i32, i32
  }
  func.func @transform_1(%arg0: i32) -> (i32, i32) {
    %c0_i32 = arith.constant 0 : i32
    %c0_i32_0 = arith.constant 0 : i32
    return %arg0, %c0_i32 : i32, i32
  }
  func.func @transform_2(%arg0: i32) -> (i32, i32) {
    %c0_i32 = arith.constant 0 : i32
    %c0_i32_0 = arith.constant 0 : i32
    return %arg0, %c0_i32 : i32, i32
  }
  func.func @transform_3(%arg0: i32) -> (i32, i32) {
    %c0_i32 = arith.constant 0 : i32
    %c0_i32_0 = arith.constant 0 : i32
    return %arg0, %c0_i32 : i32, i32
  }
  func.func @transform_4(%arg0: i32) -> (i32, i32) {
    %c0_i32 = arith.constant 0 : i32
    %c0_i32_0 = arith.constant 0 : i32
    return %arg0, %c0_i32 : i32, i32
  }
  func.func @transform_5(%arg0: i32) -> (i32, i32) {
    %c0_i32 = arith.constant 0 : i32
    %c0_i32_0 = arith.constant 0 : i32
    %c0_i32_1 = arith.constant 0 : i32
    return %c0_i32, %c0_i32_0 : i32, i32
  }
  func.func @transform_6(%arg0: i32) -> (i32, i32) {
    %c0_i32 = arith.constant 0 : i32
    %c0_i32_0 = arith.constant 0 : i32
    %c0_i32_1 = arith.constant 0 : i32
    return %c0_i32, %c0_i32_0 : i32, i32
  }
  func.func @transform_7(%arg0: i32) -> (i32, i32) {
    %c0_i32 = arith.constant 0 : i32
    %c0_i32_0 = arith.constant 0 : i32
    return %arg0, %c0_i32 : i32, i32
  }
}

module attributes {stable_mosaic.version = 14 : i64} {
  func.func @_f2_body(%arg0: i32, %arg1: memref<2x2000x68xf32, #tpu.memory_space<vmem>>, %arg2: memref<2000x68xf32, #tpu.memory_space<vmem>>, %arg3: memref<2000x68xf32, #tpu.memory_space<vmem>>, %arg4: memref<2000x4xf32, #tpu.memory_space<vmem>>, %arg5: memref<2000x4xf32, #tpu.memory_space<vmem>>, %arg6: memref<4x64xf32, #tpu.memory_space<vmem>>, %arg7: memref<64x16xf32, #tpu.memory_space<vmem>>, %arg8: memref<1x16xf32, #tpu.memory_space<vmem>>, %arg9: memref<2000x16xf32, #tpu.memory_space<vmem>>) attributes {dimension_semantics = [#tpu.dimension_semantics<arbitrary>], iteration_bounds = array<i64: 5>, scalar_prefetch = 0 : i64, scratch_operands = 0 : i64, tpu.core_type = #tpu.core_type<tc>, window_params = [{transform_indices = @transform_0, window_bounds = array<i64: 2, 2000, 68>}, {transform_indices = @transform_1, window_bounds = array<i64: 2000, 68>}, {transform_indices = @transform_2, window_bounds = array<i64: 2000, 68>}, {transform_indices = @transform_3, window_bounds = array<i64: 2000, 4>}, {transform_indices = @transform_4, window_bounds = array<i64: 2000, 4>}, {pipeline_mode = #tpu.pipeline_mode<synchronous>, transform_indices = @transform_5, window_bounds = array<i64: 4, 64>}, {pipeline_mode = #tpu.pipeline_mode<synchronous>, transform_indices = @transform_6, window_bounds = array<i64: 64, 16>}, {pipeline_mode = #tpu.pipeline_mode<synchronous>, transform_indices = @transform_7, window_bounds = array<i64: 1, 16>}, {transform_indices = @transform_8, window_bounds = array<i64: 2000, 16>}]} {
    %get3A = arith.constant 0 : index
    %get3A_0 = arith.constant 0 : index
    %get3A_1 = vector.load %arg6[%get3A, %get3A_0] : memref<4x64xf32, #tpu.memory_space<vmem>>, vector<4x64xf32>
    %get3A_2 = arith.constant 0 : index
    %get3A_3 = arith.constant 0 : index
    %get3A_4 = arith.constant 0 : index
    %get3A_5 = vector.load %arg1[%get3A_2, %get3A_3, %get3A_4] : memref<2x2000x68xf32, #tpu.memory_space<vmem>>, vector<1x2000x68xf32>
    %get3A_6 = vector.shape_cast %get3A_5 : vector<1x2000x68xf32> to vector<2000x68xf32>
    %get3A_7 = arith.constant 0 : index
    %get3A_8 = arith.constant 0 : index
    %get3A_9 = vector.load %arg2[%get3A_7, %get3A_8] : memref<2000x68xf32, #tpu.memory_space<vmem>>, vector<2000x68xf32>
    %slice3A = vector.extract_strided_slice %get3A_9 {offsets = [0, 64], sizes = [2000, 4], strides = [1, 1]} : vector<2000x68xf32> to vector<2000x4xf32>
    %get3A_10 = arith.constant 0 : index
    %get3A_11 = arith.constant 0 : index
    %get3A_12 = vector.load %arg4[%get3A_10, %get3A_11] : memref<2000x4xf32, #tpu.memory_space<vmem>>, vector<2000x4xf32>
    %add3A = arith.addf %slice3A, %get3A_12 : vector<2000x4xf32>
    %ge3A = arith.constant 0.000000e+00 : f32
    %ge3A_13 = vector.broadcast %ge3A : f32 to vector<2000x4xf32>
    %ge3A_14 = arith.cmpf oge, %add3A, %ge3A_13 : vector<2000x4xf32>
    %mul3A = arith.constant 2.000000e-01 : f32
    %mul3A_15 = vector.broadcast %mul3A : f32 to vector<2000x4xf32>
    %mul3A_16 = arith.mulf %mul3A_15, %add3A : vector<2000x4xf32>
    %select_n3A = arith.select %ge3A_14, %add3A, %mul3A_16 : vector<2000x4xi1>, vector<2000x4xf32>
    %exp3A = math.exp %select_n3A : vector<2000x4xf32>
    %slice3A_17 = vector.extract_strided_slice %get3A_6 {offsets = [0, 64], sizes = [2000, 4], strides = [1, 1]} : vector<2000x68xf32> to vector<2000x4xf32>
    %add3A_18 = arith.addf %slice3A_17, %exp3A : vector<2000x4xf32>
    %add3A_19 = arith.constant 1.000000e-16 : f32
    %add3A_20 = vector.broadcast %add3A_19 : f32 to vector<2000x4xf32>
    %add3A_21 = arith.addf %add3A_18, %add3A_20 : vector<2000x4xf32>
    %dot_general3A = arith.constant dense<0.000000e+00> : vector<2000x64xf32>
    %dot_general3A_22 = tpu.matmul %exp3A, %get3A_1, %dot_general3A {dimension_numbers = #tpu.dot_dimension_numbers<[1], [0], [0], [1], [0, 0, 1, 1], [], []>, precision = #tpu.contract_precision<fp32>, transpose_lhs_hint = false} : vector<2000x4xf32>, vector<4x64xf32>, vector<2000x64xf32> -> vector<2000x64xf32>
    %dot_general3A_23 = arith.constant dense<0.000000e+00> : vector<2000x64xf32>
    %dot_general3A_24 = tpu.matmul %add3A_21, %get3A_1, %dot_general3A_23 {dimension_numbers = #tpu.dot_dimension_numbers<[1], [0], [0], [1], [0, 0, 1, 1], [], []>, precision = #tpu.contract_precision<fp32>, transpose_lhs_hint = false} : vector<2000x4xf32>, vector<4x64xf32>, vector<2000x64xf32> -> vector<2000x64xf32>
    %slice3A_25 = vector.extract_strided_slice %get3A_6 {offsets = [0, 0], sizes = [2000, 64], strides = [1, 1]} : vector<2000x68xf32> to vector<2000x64xf32>
    %slice3A_26 = vector.extract_strided_slice %get3A_9 {offsets = [0, 0], sizes = [2000, 64], strides = [1, 1]} : vector<2000x68xf32> to vector<2000x64xf32>
    %mul3A_27 = arith.mulf %dot_general3A_22, %slice3A_26 : vector<2000x64xf32>
    %add3A_28 = arith.addf %slice3A_25, %mul3A_27 : vector<2000x64xf32>
    %div3A = arith.divf %add3A_28, %dot_general3A_24 : vector<2000x64xf32>
    %get3A_29 = arith.constant 1 : index
    %get3A_30 = arith.constant 0 : index
    %get3A_31 = arith.constant 0 : index
    %get3A_32 = vector.load %arg1[%get3A_29, %get3A_30, %get3A_31] : memref<2x2000x68xf32, #tpu.memory_space<vmem>>, vector<1x2000x68xf32>
    %get3A_33 = vector.shape_cast %get3A_32 : vector<1x2000x68xf32> to vector<2000x68xf32>
    %get3A_34 = arith.constant 0 : index
    %get3A_35 = arith.constant 0 : index
    %get3A_36 = vector.load %arg3[%get3A_34, %get3A_35] : memref<2000x68xf32, #tpu.memory_space<vmem>>, vector<2000x68xf32>
    %slice3A_37 = vector.extract_strided_slice %get3A_36 {offsets = [0, 64], sizes = [2000, 4], strides = [1, 1]} : vector<2000x68xf32> to vector<2000x4xf32>
    %get3A_38 = arith.constant 0 : index
    %get3A_39 = arith.constant 0 : index
    %get3A_40 = vector.load %arg5[%get3A_38, %get3A_39] : memref<2000x4xf32, #tpu.memory_space<vmem>>, vector<2000x4xf32>
    %add3A_41 = arith.addf %slice3A_37, %get3A_40 : vector<2000x4xf32>
    %ge3A_42 = arith.constant 0.000000e+00 : f32
    %ge3A_43 = vector.broadcast %ge3A_42 : f32 to vector<2000x4xf32>
    %ge3A_44 = arith.cmpf oge, %add3A_41, %ge3A_43 : vector<2000x4xf32>
    %mul3A_45 = arith.constant 2.000000e-01 : f32
    %mul3A_46 = vector.broadcast %mul3A_45 : f32 to vector<2000x4xf32>
    %mul3A_47 = arith.mulf %mul3A_46, %add3A_41 : vector<2000x4xf32>
    %select_n3A_48 = arith.select %ge3A_44, %add3A_41, %mul3A_47 : vector<2000x4xi1>, vector<2000x4xf32>
    %exp3A_49 = math.exp %select_n3A_48 : vector<2000x4xf32>
    %slice3A_50 = vector.extract_strided_slice %get3A_33 {offsets = [0, 64], sizes = [2000, 4], strides = [1, 1]} : vector<2000x68xf32> to vector<2000x4xf32>
    %add3A_51 = arith.addf %slice3A_50, %exp3A_49 : vector<2000x4xf32>
    %add3A_52 = arith.constant 1.000000e-16 : f32
    %add3A_53 = vector.broadcast %add3A_52 : f32 to vector<2000x4xf32>
    %add3A_54 = arith.addf %add3A_51, %add3A_53 : vector<2000x4xf32>
    %dot_general3A_55 = arith.constant dense<0.000000e+00> : vector<2000x64xf32>
    %dot_general3A_56 = tpu.matmul %exp3A_49, %get3A_1, %dot_general3A_55 {dimension_numbers = #tpu.dot_dimension_numbers<[1], [0], [0], [1], [0, 0, 1, 1], [], []>, precision = #tpu.contract_precision<fp32>, transpose_lhs_hint = false} : vector<2000x4xf32>, vector<4x64xf32>, vector<2000x64xf32> -> vector<2000x64xf32>
    %dot_general3A_57 = arith.constant dense<0.000000e+00> : vector<2000x64xf32>
    %dot_general3A_58 = tpu.matmul %add3A_54, %get3A_1, %dot_general3A_57 {dimension_numbers = #tpu.dot_dimension_numbers<[1], [0], [0], [1], [0, 0, 1, 1], [], []>, precision = #tpu.contract_precision<fp32>, transpose_lhs_hint = false} : vector<2000x4xf32>, vector<4x64xf32>, vector<2000x64xf32> -> vector<2000x64xf32>
    %slice3A_59 = vector.extract_strided_slice %get3A_33 {offsets = [0, 0], sizes = [2000, 64], strides = [1, 1]} : vector<2000x68xf32> to vector<2000x64xf32>
    %slice3A_60 = vector.extract_strided_slice %get3A_36 {offsets = [0, 0], sizes = [2000, 64], strides = [1, 1]} : vector<2000x68xf32> to vector<2000x64xf32>
    %mul3A_61 = arith.mulf %dot_general3A_56, %slice3A_60 : vector<2000x64xf32>
    %add3A_62 = arith.addf %slice3A_59, %mul3A_61 : vector<2000x64xf32>
    %div3A_63 = arith.divf %add3A_62, %dot_general3A_58 : vector<2000x64xf32>
    %get3A_64 = arith.constant 0 : index
    %get3A_65 = arith.constant 0 : index
    %get3A_66 = vector.load %arg7[%get3A_64, %get3A_65] : memref<64x16xf32, #tpu.memory_space<vmem>>, vector<64x16xf32>
    %dot_general3A_67 = arith.constant dense<0.000000e+00> : vector<2000x16xf32>
    %dot_general3A_68 = tpu.matmul %div3A, %get3A_66, %dot_general3A_67 {dimension_numbers = #tpu.dot_dimension_numbers<[1], [0], [0], [1], [0, 0, 1, 1], [], []>, precision = #tpu.contract_precision<fp32>, transpose_lhs_hint = false} : vector<2000x64xf32>, vector<64x16xf32>, vector<2000x16xf32> -> vector<2000x16xf32>
    %dot_general3A_69 = arith.constant dense<0.000000e+00> : vector<2000x16xf32>
    %dot_general3A_70 = tpu.matmul %div3A_63, %get3A_66, %dot_general3A_69 {dimension_numbers = #tpu.dot_dimension_numbers<[1], [0], [0], [1], [0, 0, 1, 1], [], []>, precision = #tpu.contract_precision<fp32>, transpose_lhs_hint = false} : vector<2000x64xf32>, vector<64x16xf32>, vector<2000x16xf32> -> vector<2000x16xf32>
    %add3A_71 = arith.addf %dot_general3A_68, %dot_general3A_70 : vector<2000x16xf32>
    %mul3A_72 = arith.constant 1.250000e-01 : f32
    %mul3A_73 = vector.broadcast %mul3A_72 : f32 to vector<2000x16xf32>
    %mul3A_74 = arith.mulf %add3A_71, %mul3A_73 : vector<2000x16xf32>
    %get3A_75 = arith.constant 0 : index
    %get3A_76 = arith.constant 0 : index
    %get3A_77 = vector.load %arg8[%get3A_75, %get3A_76] : memref<1x16xf32, #tpu.memory_space<vmem>>, vector<1x16xf32>
    %add3A_78 = vector.broadcast %get3A_77 : vector<1x16xf32> to vector<2000x16xf32>
    %add3A_79 = arith.addf %mul3A_74, %add3A_78 : vector<2000x16xf32>
    %reduce_max3A = arith.constant dense<0xFF800000> : vector<2000xf32>
    %reduce_max3A_80 = vector.multi_reduction <maximumf>, %add3A_79, %reduce_max3A [1] : vector<2000x16xf32> to vector<2000xf32>
    %broadcast_in_dim3A = vector.shape_cast %reduce_max3A_80 : vector<2000xf32> to vector<2000x1xf32>
    %sub3A = vector.broadcast %broadcast_in_dim3A : vector<2000x1xf32> to vector<2000x16xf32>
    %sub3A_81 = arith.subf %add3A_79, %sub3A : vector<2000x16xf32>
    %exp3A_82 = math.exp %sub3A_81 : vector<2000x16xf32>
    %reduce_sum3A = arith.constant dense<0.000000e+00> : vector<2000xf32>
    %reduce_sum3A_83 = vector.multi_reduction <add>, %exp3A_82, %reduce_sum3A [1] : vector<2000x16xf32> to vector<2000xf32>
    %broadcast_in_dim3A_84 = vector.shape_cast %reduce_sum3A_83 : vector<2000xf32> to vector<2000x1xf32>
    %log3A = math.log %broadcast_in_dim3A_84 : vector<2000x1xf32>
    %sub3A_85 = vector.broadcast %broadcast_in_dim3A : vector<2000x1xf32> to vector<2000x16xf32>
    %sub3A_86 = arith.subf %add3A_79, %sub3A_85 : vector<2000x16xf32>
    %sub3A_87 = vector.broadcast %log3A : vector<2000x1xf32> to vector<2000x16xf32>
    %sub3A_88 = arith.subf %sub3A_86, %sub3A_87 : vector<2000x16xf32>
    %swap3A = arith.constant 0 : index
    %swap3A_89 = arith.constant 0 : index
    %swap3A_90 = vector.load %arg9[%swap3A, %swap3A_89] : memref<2000x16xf32, #tpu.memory_space<vmem>>, vector<2000x16xf32>
    tpu.vector_store %arg9[%swap3A, %swap3A_89], %sub3A_88 {strides = array<i32>} : memref<2000x16xf32, #tpu.memory_space<vmem>>, vector<2000x16xf32>,
    return
  }
  func.func @transform_0(%arg0: i32) -> (i32, i32, i32) {
    %c0_i32 = arith.constant 0 : i32
    %c0_i32_0 = arith.constant 0 : i32
    %c0_i32_1 = arith.constant 0 : i32
    return %c0_i32, %arg0, %c0_i32_0 : i32, i32, i32
  }
  func.func @transform_1(%arg0: i32) -> (i32, i32) {
    %c0_i32 = arith.constant 0 : i32
    %c0_i32_0 = arith.constant 0 : i32
    return %arg0, %c0_i32 : i32, i32
  }
  func.func @transform_2(%arg0: i32) -> (i32, i32) {
    %c0_i32 = arith.constant 0 : i32
    %c0_i32_0 = arith.constant 0 : i32
    return %arg0, %c0_i32 : i32, i32
  }
  func.func @transform_3(%arg0: i32) -> (i32, i32) {
    %c0_i32 = arith.constant 0 : i32
    %c0_i32_0 = arith.constant 0 : i32
    return %arg0, %c0_i32 : i32, i32
  }
  func.func @transform_4(%arg0: i32) -> (i32, i32) {
    %c0_i32 = arith.constant 0 : i32
    %c0_i32_0 = arith.constant 0 : i32
    return %arg0, %c0_i32 : i32, i32
  }
  func.func @transform_5(%arg0: i32) -> (i32, i32) {
    %c0_i32 = arith.constant 0 : i32
    %c0_i32_0 = arith.constant 0 : i32
    %c0_i32_1 = arith.constant 0 : i32
    return %c0_i32, %c0_i32_0 : i32, i32
  }
  func.func @transform_6(%arg0: i32) -> (i32, i32) {
    %c0_i32 = arith.constant 0 : i32
    %c0_i32_0 = arith.constant 0 : i32
    %c0_i32_1 = arith.constant 0 : i32
    return %c0_i32, %c0_i32_0 : i32, i32
  }
  func.func @transform_7(%arg0: i32) -> (i32, i32) {
    %c0_i32 = arith.constant 0 : i32
    %c0_i32_0 = arith.constant 0 : i32
    %c0_i32_1 = arith.constant 0 : i32
    return %c0_i32, %c0_i32_0 : i32, i32
  }
  func.func @transform_8(%arg0: i32) -> (i32, i32) {
    %c0_i32 = arith.constant 0 : i32
    %c0_i32_0 = arith.constant 0 : i32
    return %arg0, %c0_i32 : i32, i32
  }
}

</mosaic_0001>

<sc_bundles>
// kernel: kernel.11.cloned.1.call-start
scs
__scs_entry_jumppad:
0x0: {  	(pc) =	sbr.rel $0x88, $3  }
0x1: {  	(tag) =	ssettag $0x0;
	lr =	simm.s32 $0x1  }
0x2: {  	[smem:$0x3F97] =	sst lr;
	_ =	strace $0xD0000000  }
0x3: {  	_ = 	snop  }
0x4: {  	_ = 	snop  }
0x5: {  	_ = 	snop  }
0x6: {  	_ = 	snop  }
0x7: {  	_ = 	snop  }
__scs_overlays_trampoline_lowered:
0x8: {  	[smem:$0x3FA6] =	sst s0  }
0x9: {  	[smem:$0x3FA7] =	sst s1  }
0xa: {  	[smem:$0x3FA8] =	sst s2  }
0xb: {  	[smem:$0x3FA9] =	sst s3  }
0xc: {  	[smem:$0x3FAA] =	sst s4  }
0xd: {  	[smem:$0x3FAB] =	sst s5  }
0xe: {  	[smem:$0x3FAC] =	sst s6  }
0xf: {  	[smem:$0x3FAD] =	sst s7  }
0x10: {  	[smem:$0x3FAE] =	sst s8  }
0x11: {  	[smem:$0x3FAF] =	sst s9;
	s0 =	simm.s32 @!p0 $0x0  }
0x12: {  	s1 =	sld [smem:$0x3F95];
	s0 =	simm.s32 @p0 $0x1  }
0x13: {  	[smem:$0x3FB0] =	sst s0;
	s0 =	simm.s32 @!p1 $0x0  }
0x14: {  	s2 =	sld [smem:$0x3F94];
	s0 =	simm.s32 @p1 $0x1  }
0x15: {  	[smem:$0x3FB1] =	sst s0;
	s0 =	simm.s32 @!p2 $0x0  }
0x16: {  	s3 =	sld [smem:$0x3FDB];
	s0 =	simm.s32 @p2 $0x1  }
0x17: {  	s4 =	simm.s32 $0x1BF5;
	[smem:$0x3FB3] =	sst s0  }
0x18: {  	s0 =	sld [smem:$0x3F96];
	_ =	swait.ge [sflag:s4], $0x0  }
0x19: {  	s7 =	sld [smem:$0x3F97]  }
0x1a: {  	s8 =	sadd.s32 $0xFFFFE003, lr  }
0x1b: {  	s9 =	sadd.s32 $0xFFFFFEF7, lr;
	s5 =	simm.s32 $0xFFFFFFFF;
	p2 =	slt.u32 s8, $0xFFFFF086  }
0x1c: {  	p1 =	slt.u32 s9, $0xF7A;
	s5 =	simm.s32 @!p2 $0x0  }
0x1d: {  	s5 =	simm.s32 @p1 $0x1;
	p0 =	seq.s32 s7, s2  }
0x1e: {  	s7 =	smul.u32 @!p0 $0xF7A, s2;
	p2 =	seq.s32 @!p0 s5, $0x0  }
0x1f: {  	s9 =	smul.u32 $0xF7A, s1;
	s8 =	simm.s32 @!p0 $0x1BF5;
	p2 =	por !p2, p0  }
0x20: {  	[sflag:s8] =	ssyncset.s32 @!p0 $0xFFFFF086;
	s6 =	sadd.s32 @!p0 s3, s7;
	s7 =	simm.s32 @!p0 $0x108  }
0x21: {  	s3 =	sadd.s32 s3, s9;
	s6 =	sadd.s32 @!p0 $0x88, s6;
	s7 =	simm.s32 @p2 $0x1082  }
0x22: {  	[simem:s7], [sflag:s8] =	dma.local @!p0 [hbm:s6], $0xF7A  }
0x23: {  	s9 =	sor.u32 $0xD0000000, s2;
	s6 =	simm.s32 $0x108;
	_ =	swait.ge @!p0 [sflag:s8], $0x0  }
0x24: {  	s3 =	sadd.s32 $0x88, s3;
	s6 =	simm.s32 @!p1 $0x1082;
	[sflag:s4] =	ssyncset.s32 $0xFFFFF086  }
0x25: {  	[simem:s6], [sflag:s4] =	dma.local [hbm:s3], $0xF7A  }
0x26: {  	[smem:$0x3F97] =	sst s1;
	(tag) =	ssettag s2;
	_ =	strace s9  }
0x27: {  	s1 =	sld [smem:$0x3FA7]  }
0x28: {  	s2 =	sld [smem:$0x3FA8]  }
0x29: {  	s4 =	sld [smem:$0x3FAA]  }
0x2a: {  	p0 =	seq.s32 s5, $0x0;
	s5 =	sld [smem:$0x3FAB]  }
0x2b: {  	s6 =	sld [smem:$0x3FAC]  }
0x2c: {  	s7 =	sld [smem:$0x3FAD]  }
0x2d: {  	s3 =	simm.s32 $0x108;
	s8 =	sld [smem:$0x3FAE]  }
0x2e: {  	s3 =	simm.s32 @!p0 $0x1082;
	s9 =	sld [smem:$0x3FAF]  }
0x2f: {  	lr =	sadd.s32 s0, s3;
	s0 =	sld [smem:$0x3FA6]  }
0x30: {  	s3 =	sld [smem:$0x3FA9]  }
0x31: {  	[smem:$0x3FB2] =	sst s10  }
0x32: {  	s10 =	sld [smem:$0x3FB0];
	_ =	sdelay $0x3  }
0x33: {  	p0 =	seq.s32 s10, $0x1;
	s10 =	sld [smem:$0x3FB2];
	_ =	sdelay $0x3  }
0x34: {  	[smem:$0x3FB2] =	sst s10  }
0x35: {  	s10 =	sld [smem:$0x3FB1];
	_ =	sdelay $0x3  }
0x36: {  	p1 =	seq.s32 s10, $0x1;
	s10 =	sld [smem:$0x3FB2];
	_ =	sdelay $0x3  }
0x37: {  	[smem:$0x3FB2] =	sst s10  }
0x38: {  	s10 =	sld [smem:$0x3FB3]  }
0x39: {  	_ = 	snop;
	(pc) =	sbr.ind lr, $3  }
0x3a: {  	_ = 	snop  }
0x3b: {  	_ = 	snop  }
0x3c: {  	p2 =	seq.s32 s10, $0x1;
	s10 =	sld [smem:$0x3FB2]  }
0x3d: {  	_ =	shalt  }
0x3e: {  	_ =	shalt  }
0x3f: {  	_ =	shalt  }
0x40: {  	_ =	shalt  }
0x41: {  	_ =	shalt  }
0x42: {  	_ =	shalt  }
0x43: {  	_ =	shalt  }
0x44: {  	_ =	shalt  }
0x45: {  	_ =	shalt  }
0x46: {  	_ =	shalt  }
0x47: {  	_ =	shalt  }
0x48: {  	_ =	shalt  }
0x49: {  	_ =	shalt  }
0x4a: {  	_ =	shalt  }
0x4b: {  	_ =	shalt  }
0x4c: {  	_ =	shalt  }
0x4d: {  	_ =	shalt  }
0x4e: {  	_ =	shalt  }
0x4f: {  	_ =	shalt  }
0x50: {  	_ =	shalt  }
0x51: {  	_ =	shalt  }
0x52: {  	_ =	shalt  }
0x53: {  	_ =	shalt  }
0x54: {  	_ =	shalt  }
0x55: {  	_ =	shalt  }
0x56: {  	_ =	shalt  }
0x57: {  	_ =	shalt  }
0x58: {  	_ =	shalt  }
0x59: {  	_ =	shalt  }
0x5a: {  	_ =	shalt  }
0x5b: {  	_ =	shalt  }
0x5c: {  	_ =	shalt  }
0x5d: {  	_ =	shalt  }
0x5e: {  	_ =	shalt  }
0x5f: {  	_ =	shalt  }
0x60: {  	_ =	shalt  }
0x61: {  	_ =	shalt  }
0x62: {  	_ =	shalt  }
0x63: {  	_ =	shalt  }
0x64: {  	_ =	shalt  }
0x65: {  	_ =	shalt  }
0x66: {  	_ =	shalt  }
0x67: {  	_ =	shalt  }
0x68: {  	_ =	shalt  }
0x69: {  	_ =	shalt  }
0x6a: {  	_ =	shalt  }
0x6b: {  	_ =	shalt  }
0x6c: {  	_ =	shalt  }
0x6d: {  	_ =	shalt  }
0x6e: {  	_ =	shalt  }
0x6f: {  	_ =	shalt  }
0x70: {  	_ =	shalt  }
0x71: {  	_ =	shalt  }
0x72: {  	_ =	shalt  }
0x73: {  	_ =	shalt  }
0x74: {  	_ =	shalt  }
0x75: {  	_ =	shalt  }
0x76: {  	_ =	shalt  }
0x77: {  	_ =	shalt  }
0x78: {  	_ =	shalt  }
0x79: {  	_ =	shalt  }
0x7a: {  	_ =	shalt  }
0x7b: {  	_ =	shalt  }
0x7c: {  	_ =	shalt  }
0x7d: {  	_ =	shalt  }
0x7e: {  	_ =	shalt  }
0x7f: {  	_ =	shalt  }
0x80: {  	_ =	shalt  }
0x81: {  	_ =	shalt  }
0x82: {  	_ =	shalt  }
0x83: {  	_ =	shalt  }
0x84: {  	_ =	shalt  }
0x85: {  	_ =	shalt  }
0x86: {  	_ =	shalt  }
0x87: {  	_ =	shalt  }
.Lfunc_end0:
.L_simem_size_0:
called_computation.1_lowered:
.L_overlay_start_0:
0x88: {  	s2 =	sld [smem:$0x3FD9]  }
0x89: {  	s3 =	sld [smem:$0x3FFE];
	_ =	sdelay $0x1  }
0x8a: {  	s1 =	srdreg.scid  }
0x8b: {  	s0 =	sand.u32 $0x1, s1  }
0x8c: {  	s17 =	sshll.u32 s0, $0xA;
	s2 =	sadd.s32 s3, s2  }
0x8d: {  	s2 =	sadd.s32 s2, s17  }
0x8e: {  	[smem:$0x3FBE] =	sst s2  }
0x8f: {  	_ = 	snop  }
0x90: {  	s2 =	sld [smem:$0x3FD0];
	(tm) =	ssettm $0x1  }
0x91: {  	s18 =	sld [smem:$0x3FFB];
	_ =	sdelay $0x3  }
0x92: {  	_ =	strace s18  }
0x93: {  	s3 =	sld [smem:$0x3FFC];
	_ =	sdelay $0x3  }
0x94: {  	_ =	strace s3  }
0x95: {  	s3 =	sld [smem:$0x3FFD];
	_ =	sdelay $0x3  }
0x96: {  	_ =	strace s3  }
0x97: {  	_ =	strace $0x8FFFFFFF  }
0x98: {  	s19 =	sld [smem:$0x3FDB];
	_ =	sdelay $0x1  }
0x99: {  	s4 =	simm.s32 $_scs_section_size  }
0x9a: {  	s5 =	simm.s32 $_size__tile_overlayer_lowered;
	s6 =	simm.s32 $_tile_overlayer_lowered  }
0x9b: {  	s22 =	simm.s32 $0x1BFF;
	s21 =	sshll.u32 s6, $0x1;
	s3 =	sadd.s32 s4, s19  }
0x9c: {  	s7 =	simm.s32 $0x0;
	s20 =	sshll.u32 s5, $0x1;
	s5 =	sadd.s32 s21, s3  }
0x9d: {  	[timem:s7], [sflag:s22] =	dma.local [hbm:s5], s20  }
0x9e: {  	_ =	swait.ge [sflag:s22], s20  }
0x9f: {  	s4 =	ssub.s32 $0x0, s20;
	[sflag:s22] =	ssyncset.done $0x0  }
0xa0: {  	[sflag:s22] =	ssyncadd.s32 s4;
	_ =	sdelay $0x1  }
0xa1: {  	s23 =	simm.s32 $0x1B8B  }
0xa2: {  	_ =	swait.ge [sflag:s23], $0x1  }
0xa3: {  	[sflag:s23] =	ssyncset.done $0x0  }
0xa4: {  	s25 =	simm.s32 $0x1B8E;
	s24 =	sld [smem:$0x3FFE];
	[sflag:s23] =	ssyncadd.s32 $0xFFFFFFFF  }
0xa5: {  	s26 =	simm.s32 $execute0_lowered;
	[smem:$0x3FD2] =	sst s25  }
0xa6: {  	s5 =	sshll.u32 s26, $0x1;
	_ =	strace $0x80000049;
	[dreg:$0x1] =	wrdreg $0xFFFFFFFF  }
0xa7: {  	s28 =	simm.s32 $_size_execute0_lowered;
	s3 =	sadd.s32 s3, s5;
	[dreg:$0x0] =	wrdreg $0x0  }
0xa8: {  	s5 =	sshll.u32 s28, $0x1;
	[dreg:$0x2] =	wrdreg s3  }
0xa9: {  	[dreg:$0x3] =	wrdreg s5  }
0xaa: {  	[dreg:$0x4] =	wrdreg $0xC0  }
0xab: {  	_ =	task [dreg:s7], $0x5FFFF  }
0xac: {  	[dreg:$0x1] =	wrdreg $0xFFFFFFFF  }
0xad: {  	[dreg:$0x0] =	wrdreg $0x60  }
0xae: {  	[dreg:$0x2] =	wrdreg s24  }
0xaf: {  	[dreg:$0x3] =	wrdreg s2  }
0xb0: {  	[dreg:$0x4] =	wrdreg $0x0  }
0xb1: {  	[dreg:$0x5] =	wrdreg $0x9  }
0xb2: {  	_ =	task.clear_ibuf [dreg:s7], $0x6FFFF;
	_ =	strace $0x90000049  }
0xb3: {  	s29 =	simm.s32 $0x9;
	_ =	strace $0x8000004B  }
0xb4: {  	_ =	swait.ge [sflag:s29], $0x1  }
0xb5: {  	[sflag:s29] =	ssyncadd.s32 $0xFFFFFFFF  }
0xb6: {  	_ =	strace $0x9000004B  }
0xb7: {  	_ =	sfence  }
0xb8: {  	s30 =	sld [smem:$0x0];
	_ =	sdelay $0x2  }
0xb9: {  	s31 =	sshll.u32 s1, $0xD;
	s1 =	sshrl.u32 s1, $0x2  }
0xba: {  	s3 =	sand.u32 $0x4000, s31;
	s1 =	sadd.s32 s1, s30  }
0xbb: {  	s0 =	sor.u32 s3, s0;
	s1 =	sshll.u32 s1, $0x11  }
0xbc: {  	s0 =	sor.u32 s1, s0  }
0xbd: {  	s0 =	sadd.s32 $0x8F2B, s0  }
0xbe: {  	[sflag:s0] =	ssyncadd.remote.s32 $0x1  }
0xbf: {  	_ =	sfence.sel $0xFFFF  }
0xc0: {  	[dreg:$0x0] =	wrdreg $0xFFFFFFFF;
	(pc) =	sbr.abs _section_cstart, $3  }
0xc1: {  	[dreg:$0x1] =	wrdreg $0xFFFFFFFF  }
0xc2: {  	_ =	task.clear_ibuf [dreg:s7], $0x2FFFF;
	_ =	strace $0x9FFFFFFF  }
0xc3: {  	(tm) =	ssettm $0x7FFFFFFF  }
tec
execute0_lowered:
.L_overlay_start_1:
0x0: {  	(tag) =	ssettag $0x1  }
0x1: {  	s0 =	rddreg [dreg:$0x0]  }
0x2: {  	s2 =	rddreg [dreg:$0x2];
	s4 =	simm.s32 $0x0;
	s15 =	stileid.u32  }
0x3: {  	s8 =	srdreg.scid;
	s18 =	simm.s32 $0x3;
	s20 =	simm.s32 $0xAA00  }
0x4: {  	s21 =	simm.s32 $0xAA28;
	s28 =	simm.s32 $0xB5E0;
	s29 =	simm.s32 $0x1  }
0x5: {  	s30 =	simm.s32 $0x2;
	s31 =	simm.s32 $0x0;
	[smem:$0x7FF] =	sst s4  }
0x6: {  	s1 =	sadd.s32 $0x61000, s0;
	s3 =	sadd.s32 $0x57200, s0;
	s7 =	smul.u32 $0xB400, s15  }
0x7: {  	s5 =	sadd.s32 $0x3EA00, s0;
	s6 =	sadd.s32 $0x28A00, s0;
	s14 =	smul.u32 $0x4E20, s15  }
0x8: {  	s11 =	sand.u32 $0x1, s8;
	s10 =	sadd.s32 $0x54A00, s0;
	s17 =	smul.u32 $0x9C4, s15  }
0x9: {  	s24 =	sshll.u32 s15, $0x6;
	_ =	strace $0x8000004A;
	s8 =	smul.u32 $0x16800, s11  }
0xa: {  	s9 =	ssub.s32 $0x2, s11;
	[dreg:$0x4] =	wrdreg s10;
	s10 =	sor.u32 $0x1C03, s24  }
0xb: {  	p0 =	seq.s32 s11, $0x1;
	s19 =	sshrl.u32 s7, $0x3;
	s12 =	sshrl.u32 s9, $0x1  }
0xc: {  	s7 =	sadd.s32 s7, s2;
	s25 =	sshrl.u32 s14, $0x3;
	s26 =	sadd.s32 $0x4DF8, s14  }
0xd: {  	s16 =	sadd.s32 s17, s3;
	s17 =	sadd.s32 s17, s1;
	s22 =	sadd.s32 s19, s0  }
0xe: {  	s0 =	sadd.s32 s8, s0;
	s13 =	ssub.s32 s9, s12;
	[dreg:$0x5] =	wrdreg s7  }
.Ltmp0:
0xf: {  	s11 =	sadd.s32 s1, s25;
	s12 =	sadd.s32 s3, s25;
	(pc) =	sbr.rel .LBB2_1-.Ltmp0, $4  }
0x10: {  	s7 =	sshrl.u32 s26, $0x3;
	s25 =	simm.s32 $0xB590;
	s26 =	simm.s32 $0xB5B8  }
0x11: {  	s23 =	sadd.s32 $0x6AE00, s22;
	s0 =	sadd.s32 $0x81600, s0;
	s13 =	smax.u32 s13, $0x1  }
0x12: {  	s14 =	sadd.s32 s3, s7;
	s15 =	sadd.s32 s1, s7;
	s22 =	simm.s32 $0x28  }
0x13: {  	[dreg:$0x6] =	wrdreg s23;
	s23 =	simm.s32 $0xAA50;
	s24 =	sadd.s32 s19, s0  }
.LBB2_7:
0x14: {  	s1 =	sadd.s32 $0x9BF, s7;
	[sflag:s18] =	ssyncadd.s32 $0xFFFFF560  }
0x15: {  	[tilespmem:s25], [sflag:$0x3] =	stream.linear.gather [hbm4b:s1+s4], $0x28, $0x38;
	[tilespmem:$0x1F9A0] =	vst v63  }
0x16: {  	_ =	swait.ge [sflag:s18], $0x28  }
0x17: {  	s9 =	sadd.s32 s3, s16;
	[sflag:s18] =	ssyncset.done $0x0  }
0x18: {  	s3 =	sadd.s32 $0x9BF, s9;
	[sflag:s18] =	ssyncadd.s32 $0xFFFFFFD8  }
0x19: {  	[tilespmem:s26], [sflag:$0x3] =	stream.linear.gather [hbm4b:s3+s4], $0x28, $0x38;
	[tilespmem:$0x1F9A0] =	vst v63  }
0x1a: {  	_ =	swait.ge [sflag:s18], $0x28  }
0x1b: {  	[sflag:s18] =	ssyncset.done $0x0  }
0x1c: {  	[sflag:s18] =	ssyncadd.s32 $0xFFFFFFD8  }
0x1d: {  	[tilespmem:s28], [sflag:$0x2] =	stream.indirect.gather [hbm4b:s6+s22], $0x44, s25, s22, $0xb8;
	[tilespmem:$0x1F9A0] =	vst v63  }
0x1e: {  	_ =	swait.ge [sflag:s29], $0xAA0  }
0x1f: {  	[sflag:s29] =	ssyncset.done $0x0  }
0x20: {  	[sflag:s29] =	ssyncadd.s32 $0xFFFFF560  }
0x21: {  	[spmem:s2] =	stream.indirect.scatter.add.f32 [tilespmem:s23], [sflag:$0x3], $0x44, s21, s22, $0xb8;
	[tilespmem:$0x1F9A0] =	vst v63  }
0x22: {  	_ =	swait.ge [sflag:s18], $0xAA0  }
0x23: {  	[sflag:s18] =	ssyncset.done $0x0  }
0x24: {  	s19 =	sadd.s32 $0x9C4, s7;
	[sflag:s18] =	ssyncadd.s32 $0xFFFFF560  }
0x25: {  	[tilespmem:s20], [sflag:$0x3] =	stream.linear.gather [hbm4b:s19+s4], $0x28, $0x38;
	[tilespmem:$0x1F9A0] =	vst v63  }
0x26: {  	_ =	swait.ge [sflag:s18], $0x28  }
0x27: {  	[sflag:s18] =	ssyncset.done $0x0  }
0x28: {  	s1 =	sadd.s32 $0x9C4, s9;
	[sflag:s18] =	ssyncadd.s32 $0xFFFFFFD8  }
0x29: {  	[tilespmem:s21], [sflag:$0x3] =	stream.linear.gather [hbm4b:s1+s4], $0x28, $0x38;
	[tilespmem:$0x1F9A0] =	vst v63  }
0x2a: {  	_ =	swait.ge [sflag:s18], $0x28  }
0x2b: {  	[sflag:s18] =	ssyncset.done $0x0  }
0x2c: {  	[sflag:s18] =	ssyncadd.s32 $0xFFFFFFD8  }
0x2d: {  	[tilespmem:s23], [sflag:$0x1] =	stream.indirect.gather [hbm4b:s6+s22], $0x44, s20, s22, $0xb8;
	[tilespmem:$0x1F9A0] =	vst v63  }
0x2e: {  	_ =	swait.ge [sflag:s30], $0xAA0  }
0x2f: {  	[sflag:s30] =	ssyncset.done $0x0  }
0x30: {  	[sflag:s30] =	ssyncadd.s32 $0xFFFFF560  }
0x31: {  	[spmem:s2] =	stream.indirect.scatter.add.f32 [tilespmem:s28], [sflag:$0x3], $0x44, s26, s22, $0xb8;
	[tilespmem:$0x1F9A0] =	vst v63  }
0x32: {  	_ =	swait.ge [sflag:s18], $0xAA0  }
0x33: {  	[sflag:s18] =	ssyncset.done $0x0  }
0x34: {  	s1 =	smov.u32 s6;
	[sflag:s18] =	ssyncadd.s32 $0xFFFFF560  }
.LBB2_8:
0x35: {  	[tilespmem:s25], [sflag:$0x3] =	stream.linear.gather [hbm4b:s15+s4], $0x28, $0x38;
	[tilespmem:$0x1F9A0] =	vst v63  }
0x36: {  	_ =	swait.ge [sflag:s18], $0x28  }
0x37: {  	[sflag:s18] =	ssyncset.done $0x0  }
0x38: {  	[sflag:s18] =	ssyncadd.s32 $0xFFFFFFD8  }
0x39: {  	[tilespmem:s26], [sflag:$0x3] =	stream.linear.gather [hbm4b:s14+s4], $0x28, $0x38;
	[tilespmem:$0x1F9A0] =	vst v63  }
0x3a: {  	_ =	swait.ge [sflag:s18], $0x28  }
0x3b: {  	[sflag:s18] =	ssyncset.done $0x0  }
0x3c: {  	[sflag:s18] =	ssyncadd.s32 $0xFFFFFFD8  }
0x3d: {  	[tilespmem:s28], [sflag:$0x2] =	stream.indirect.gather [hbm4b:s1+s22], $0x44, s25, s22, $0xb8;
	[tilespmem:$0x1F9A0] =	vst v63  }
0x3e: {  	_ =	swait.ge [sflag:s29], $0xAA0  }
0x3f: {  	[sflag:s29] =	ssyncset.done $0x0  }
0x40: {  	[sflag:s29] =	ssyncadd.s32 $0xFFFFF560  }
0x41: {  	[spmem:s2] =	stream.indirect.scatter.add.f32 [tilespmem:s23], [sflag:$0x3], $0x44, s21, s22, $0xb8;
	[tilespmem:$0x1F9A0] =	vst v63  }
0x42: {  	_ =	swait.ge [sflag:s18], $0xAA0  }
0x43: {  	[sflag:s18] =	ssyncset.done $0x0  }
0x44: {  	[sflag:s18] =	ssyncadd.s32 $0xFFFFF560  }
0x45: {  	_ =	swait.ge [sflag:s30], $0xAA0  }
0x46: {  	[sflag:s30] =	ssyncset.done $0x0  }
0x47: {  	[sflag:s30] =	ssyncadd.s32 $0xFFFFF560  }
0x48: {  	[spmem:s2] =	stream.indirect.scatter.add.f32 [tilespmem:s28], [sflag:$0x3], $0x44, s26, s22, $0xb8;
	[tilespmem:$0x1F9A0] =	vst v63  }
0x49: {  	_ =	swait.ge [sflag:s18], $0xAA0  }
0x4a: {  	s31 =	sadd.s32 $0x1, s31;
	[sflag:s18] =	ssyncset.done $0x0  }
0x4b: {  	p1 =	sne.s32 s31, s13;
	[sflag:s18] =	ssyncadd.s32 $0xFFFFF560  }
.Ltmp1:
0x4c: {  	[bflag:$0x0] =	sbarrier.arrive $0xFFFF;
	(pc) =	sbr.rel @!p1 .LBB2_9-.Ltmp1, $4  }
0x4d: {  	[hbm:s24], [sflag:s10] =	dma.local [spmem:s0], $0x1680  }
0x4e: {  	_ =	swait.ge [sflag:s18], $0x1680  }
0x4f: {  	[sflag:s18] =	ssyncset.done $0x0  }
0x50: {  	[sflag:s18] =	ssyncadd.s32 $0xFFFFE980  }
.LBB2_1:
0x51: {  	s0 =	rddreg [dreg:$0x5]  }
.Ltmp2:
0x52: {  	s1 =	rddreg [dreg:$0x6];
	s0 =	sshrl.u32 s0, $0x3;
	(pc) =	sbr.rel @!p0 .LBB2_2-.Ltmp2, $4  }
0x53: {  	[spmem:s0], [sflag:s10] =	dma.local [hbm:s1], $0x1680  }
0x54: {  	_ =	swait.ge [sflag:s18], $0x1680  }
0x55: {  	[sflag:s18] =	ssyncset.done $0x0  }
0x56: {  	[sflag:s18] =	ssyncadd.s32 $0xFFFFE980  }
0x57: {  	s1 =	rddreg [dreg:$0x4];
	s3 =	simm.s32 $0xC120  }
0x58: {  	[tilespmem:s3], [sflag:$0x3] =	stream.linear.gather [hbm4b:s1+s4], $0x13880, $0x38;
	[tilespmem:$0x1F9A0] =	vst v63  }
0x59: {  	_ =	swait.ge [sflag:s18], $0x13880  }
0x5a: {  	[sflag:s18] =	ssyncset.done $0x0  }
0x5b: {  	[sflag:s18] =	ssyncadd.s32 $0xFFFEC780  }
0x5c: {  	[bflag:$0x0] =	sbarrier.arrive $0xFFFF  }
0x5d: {  	[tilespmem:s20], [sflag:$0x3] =	stream.linear.gather [hbm4b:s11+s4], $0x28, $0x38;
	[tilespmem:$0x1F9A0] =	vst v63  }
0x5e: {  	_ =	swait.ge [sflag:s18], $0x28  }
0x5f: {  	[sflag:s18] =	ssyncset.done $0x0  }
0x60: {  	[sflag:s18] =	ssyncadd.s32 $0xFFFFFFD8  }
0x61: {  	[tilespmem:s21], [sflag:$0x3] =	stream.linear.gather [hbm4b:s12+s4], $0x28, $0x38;
	[tilespmem:$0x1F9A0] =	vst v63  }
0x62: {  	_ =	swait.ge [sflag:s18], $0x28  }
0x63: {  	[sflag:s18] =	ssyncset.done $0x0  }
0x64: {  	s19 =	sadd.s32 $0xFFFFF646, s17;
	[sflag:s18] =	ssyncadd.s32 $0xFFFFFFD8  }
0x65: {  	[tilespmem:s23], [sflag:$0x1] =	stream.indirect.gather [hbm4b:s6+s22], $0x44, s20, s22, $0xb8;
	[tilespmem:$0x1F9A0] =	vst v63  }
0x66: {  	s8 =	sadd.s32 $0x9BF, s19  }
0x67: {  	[tilespmem:s25], [sflag:$0x3] =	stream.linear.gather [hbm4b:s8+s4], $0x28, $0x38;
	[tilespmem:$0x1F9A0] =	vst v63  }
0x68: {  	_ =	swait.ge [sflag:s18], $0x28  }
0x69: {  	s9 =	sadd.s32 $0xFFFFF646, s16;
	[sflag:s18] =	ssyncset.done $0x0  }
0x6a: {  	s7 =	sadd.s32 $0x9BF, s9;
	[sflag:s18] =	ssyncadd.s32 $0xFFFFFFD8  }
0x6b: {  	[tilespmem:s26], [sflag:$0x3] =	stream.linear.gather [hbm4b:s7+s4], $0x28, $0x38;
	[tilespmem:$0x1F9A0] =	vst v63  }
0x6c: {  	_ =	swait.ge [sflag:s18], $0x28  }
0x6d: {  	[sflag:s18] =	ssyncset.done $0x0  }
0x6e: {  	[sflag:s18] =	ssyncadd.s32 $0xFFFFFFD8  }
0x6f: {  	[tilespmem:s28], [sflag:$0x2] =	stream.indirect.gather [hbm4b:s6+s22], $0x44, s25, s22, $0xb8;
	[tilespmem:$0x1F9A0] =	vst v63  }
0x70: {  	_ =	swait.ge [sflag:s29], $0xAA0  }
0x71: {  	[sflag:s29] =	ssyncset.done $0x0  }
0x72: {  	[sflag:s29] =	ssyncadd.s32 $0xFFFFF560  }
0x73: {  	[spmem:s2] =	stream.indirect.scatter.add.f32 [tilespmem:s23], [sflag:$0x3], $0x44, s21, s22, $0xb8;
	[tilespmem:$0x1F9A0] =	vst v63  }
0x74: {  	_ =	swait.ge [sflag:s18], $0xAA0  }
0x75: {  	[sflag:s18] =	ssyncset.done $0x0  }
0x76: {  	s1 =	sadd.s32 $0x9C4, s19;
	[sflag:s18] =	ssyncadd.s32 $0xFFFFF560  }
0x77: {  	[tilespmem:s20], [sflag:$0x3] =	stream.linear.gather [hbm4b:s1+s4], $0x28, $0x38;
	[tilespmem:$0x1F9A0] =	vst v63  }
0x78: {  	_ =	swait.ge [sflag:s18], $0x28  }
0x79: {  	[sflag:s18] =	ssyncset.done $0x0  }
0x7a: {  	s19 =	sadd.s32 $0x9C4, s9;
	[sflag:s18] =	ssyncadd.s32 $0xFFFFFFD8  }
0x7b: {  	[tilespmem:s21], [sflag:$0x3] =	stream.linear.gather [hbm4b:s19+s4], $0x28, $0x38;
	[tilespmem:$0x1F9A0] =	vst v63  }
0x7c: {  	_ =	swait.ge [sflag:s18], $0x28  }
0x7d: {  	[sflag:s18] =	ssyncset.done $0x0  }
0x7e: {  	[sflag:s18] =	ssyncadd.s32 $0xFFFFFFD8  }
0x7f: {  	[tilespmem:s23], [sflag:$0x1] =	stream.indirect.gather [hbm4b:s6+s22], $0x44, s20, s22, $0xb8;
	[tilespmem:$0x1F9A0] =	vst v63  }
0x80: {  	_ =	swait.ge [sflag:s30], $0xAA0  }
0x81: {  	[sflag:s30] =	ssyncset.done $0x0  }
0x82: {  	[sflag:s30] =	ssyncadd.s32 $0xFFFFF560  }
0x83: {  	[spmem:s2] =	stream.indirect.scatter.add.f32 [tilespmem:s28], [sflag:$0x3], $0x44, s26, s22, $0xb8;
	[tilespmem:$0x1F9A0] =	vst v63  }
0x84: {  	s3 =	simm.s32 $0xFFFFF650;
	_ =	swait.ge [sflag:s18], $0xAA0  }
0x85: {  	s7 =	sadd.s32 $0xFFFFF650, s17;
	s19 =	simm.s32 $0xFFFFF65A;
	[sflag:s18] =	ssyncset.done $0x0  }
.LBB2_6:
0x86: {  	s8 =	sadd.s32 $0x9BF, s7  }
0x87: {  	[sflag:s18] =	ssyncadd.s32 $0xFFFFF560;
	s9 =	smov.u32 s19;
	s1 =	sadd.s32 $0xA, s19  }
0x88: {  	[tilespmem:s25], [sflag:$0x3] =	stream.linear.gather [hbm4b:s8+s4], $0x28, $0x38;
	[tilespmem:$0x1F9A0] =	vst v63  }
0x89: {  	p1 =	sne.s32 s19, $0xFFFFFFF6;
	_ =	swait.ge [sflag:s18], $0x28  }
0x8a: {  	s8 =	sadd.s32 s3, s16;
	s3 =	smov.u32 s9;
	[sflag:s18] =	ssyncset.done $0x0  }
0x8b: {  	s9 =	sadd.s32 $0x9BF, s8;
	[sflag:s18] =	ssyncadd.s32 $0xFFFFFFD8  }
0x8c: {  	[tilespmem:s26], [sflag:$0x3] =	stream.linear.gather [hbm4b:s9+s4], $0x28, $0x38;
	[tilespmem:$0x1F9A0] =	vst v63  }
0x8d: {  	_ =	swait.ge [sflag:s18], $0x28  }
0x8e: {  	[sflag:s18] =	ssyncset.done $0x0  }
0x8f: {  	[sflag:s18] =	ssyncadd.s32 $0xFFFFFFD8  }
0x90: {  	[tilespmem:s28], [sflag:$0x2] =	stream.indirect.gather [hbm4b:s6+s22], $0x44, s25, s22, $0xb8;
	[tilespmem:$0x1F9A0] =	vst v63  }
0x91: {  	_ =	swait.ge [sflag:s29], $0xAA0  }
0x92: {  	[sflag:s29] =	ssyncset.done $0x0  }
0x93: {  	[sflag:s29] =	ssyncadd.s32 $0xFFFFF560  }
0x94: {  	[spmem:s2] =	stream.indirect.scatter.add.f32 [tilespmem:s23], [sflag:$0x3], $0x44, s21, s22, $0xb8;
	[tilespmem:$0x1F9A0] =	vst v63  }
0x95: {  	_ =	swait.ge [sflag:s18], $0xAA0  }
0x96: {  	[sflag:s18] =	ssyncset.done $0x0  }
0x97: {  	s7 =	sadd.s32 $0x9C4, s7;
	[sflag:s18] =	ssyncadd.s32 $0xFFFFF560  }
0x98: {  	[tilespmem:s20], [sflag:$0x3] =	stream.linear.gather [hbm4b:s7+s4], $0x28, $0x38;
	[tilespmem:$0x1F9A0] =	vst v63  }
0x99: {  	_ =	swait.ge [sflag:s18], $0x28  }
0x9a: {  	[sflag:s18] =	ssyncset.done $0x0  }
0x9b: {  	s7 =	sadd.s32 $0x9C4, s8;
	[sflag:s18] =	ssyncadd.s32 $0xFFFFFFD8  }
0x9c: {  	[tilespmem:s21], [sflag:$0x3] =	stream.linear.gather [hbm4b:s7+s4], $0x28, $0x38;
	[tilespmem:$0x1F9A0] =	vst v63  }
0x9d: {  	_ =	swait.ge [sflag:s18], $0x28  }
0x9e: {  	[sflag:s18] =	ssyncset.done $0x0  }
0x9f: {  	[sflag:s18] =	ssyncadd.s32 $0xFFFFFFD8  }
0xa0: {  	[tilespmem:s23], [sflag:$0x1] =	stream.indirect.gather [hbm4b:s6+s22], $0x44, s20, s22, $0xb8;
	[tilespmem:$0x1F9A0] =	vst v63  }
0xa1: {  	_ =	swait.ge [sflag:s30], $0xAA0  }
.Ltmp3:
0xa2: {  	[sflag:s30] =	ssyncset.done $0x0;
	(pc) =	sbr.rel @p1 .LBB2_6-.Ltmp3, $4  }
0xa3: {  	[sflag:s30] =	ssyncadd.s32 $0xFFFFF560  }
0xa4: {  	[spmem:s2] =	stream.indirect.scatter.add.f32 [tilespmem:s28], [sflag:$0x3], $0x44, s26, s22, $0xb8;
	[tilespmem:$0x1F9A0] =	vst v63  }
0xa5: {  	_ =	swait.ge [sflag:s18], $0xAA0  }
0xa6: {  	s19 =	smov.u32 s1;
	s7 =	sadd.s32 s3, s17;
	[sflag:s18] =	ssyncset.done $0x0  }
.Ltmp4:
0xa7: {  	_ = 	snop;
	(pc) =	sbr.rel .LBB2_7-.Ltmp4, $1  }
0xa8: {  	_ =	sdelay $0x3  }
.LBB2_2:
0xa9: {  	s1 =	rddreg [dreg:$0x1];
	s3 =	simm.s32 $0xC120  }
0xaa: {  	[tilespmem:s3], [sflag:$0x3] =	stream.linear.gather [hbm4b:s1+s4], $0x13880, $0x38;
	[tilespmem:$0x1F9A0] =	vst v63  }
0xab: {  	_ =	swait.ge [sflag:s18], $0x13880  }
0xac: {  	[sflag:s18] =	ssyncset.done $0x0  }
0xad: {  	[sflag:s18] =	ssyncadd.s32 $0xFFFEC780  }
0xae: {  	[bflag:$0x0] =	sbarrier.arrive $0xFFFF  }
0xaf: {  	[tilespmem:s20], [sflag:$0x3] =	stream.linear.gather [hbm4b:s11+s4], $0x28, $0x38;
	[tilespmem:$0x1F9A0] =	vst v63  }
0xb0: {  	_ =	swait.ge [sflag:s18], $0x28  }
0xb1: {  	[sflag:s18] =	ssyncset.done $0x0  }
0xb2: {  	[sflag:s18] =	ssyncadd.s32 $0xFFFFFFD8  }
0xb3: {  	[tilespmem:s21], [sflag:$0x3] =	stream.linear.gather [hbm4b:s12+s4], $0x28, $0x38;
	[tilespmem:$0x1F9A0] =	vst v63  }
0xb4: {  	_ =	swait.ge [sflag:s18], $0x28  }
0xb5: {  	[sflag:s18] =	ssyncset.done $0x0  }
0xb6: {  	s19 =	sadd.s32 $0xFFFFF646, s17;
	[sflag:s18] =	ssyncadd.s32 $0xFFFFFFD8  }
0xb7: {  	[tilespmem:s23], [sflag:$0x1] =	stream.indirect.gather [hbm4b:s5+s22], $0x44, s20, s22, $0xb8;
	[tilespmem:$0x1F9A0] =	vst v63  }
0xb8: {  	s8 =	sadd.s32 $0x9BF, s19  }
0xb9: {  	[tilespmem:s25], [sflag:$0x3] =	stream.linear.gather [hbm4b:s8+s4], $0x28, $0x38;
	[tilespmem:$0x1F9A0] =	vst v63  }
0xba: {  	_ =	swait.ge [sflag:s18], $0x28  }
0xbb: {  	s9 =	sadd.s32 $0xFFFFF646, s16;
	[sflag:s18] =	ssyncset.done $0x0  }
0xbc: {  	s7 =	sadd.s32 $0x9BF, s9;
	[sflag:s18] =	ssyncadd.s32 $0xFFFFFFD8  }
0xbd: {  	[tilespmem:s26], [sflag:$0x3] =	stream.linear.gather [hbm4b:s7+s4], $0x28, $0x38;
	[tilespmem:$0x1F9A0] =	vst v63  }
0xbe: {  	_ =	swait.ge [sflag:s18], $0x28  }
0xbf: {  	[sflag:s18] =	ssyncset.done $0x0  }
0xc0: {  	[sflag:s18] =	ssyncadd.s32 $0xFFFFFFD8  }
0xc1: {  	[tilespmem:s28], [sflag:$0x2] =	stream.indirect.gather [hbm4b:s5+s22], $0x44, s25, s22, $0xb8;
	[tilespmem:$0x1F9A0] =	vst v63  }
0xc2: {  	_ =	swait.ge [sflag:s29], $0xAA0  }
0xc3: {  	[sflag:s29] =	ssyncset.done $0x0  }
0xc4: {  	[sflag:s29] =	ssyncadd.s32 $0xFFFFF560  }
0xc5: {  	[spmem:s2] =	stream.indirect.scatter.add.f32 [tilespmem:s23], [sflag:$0x3], $0x44, s21, s22, $0xb8;
	[tilespmem:$0x1F9A0] =	vst v63  }
0xc6: {  	_ =	swait.ge [sflag:s18], $0xAA0  }
0xc7: {  	[sflag:s18] =	ssyncset.done $0x0  }
0xc8: {  	s1 =	sadd.s32 $0x9C4, s19;
	[sflag:s18] =	ssyncadd.s32 $0xFFFFF560  }
0xc9: {  	[tilespmem:s20], [sflag:$0x3] =	stream.linear.gather [hbm4b:s1+s4], $0x28, $0x38;
	[tilespmem:$0x1F9A0] =	vst v63  }
0xca: {  	_ =	swait.ge [sflag:s18], $0x28  }
0xcb: {  	[sflag:s18] =	ssyncset.done $0x0  }
0xcc: {  	s19 =	sadd.s32 $0x9C4, s9;
	[sflag:s18] =	ssyncadd.s32 $0xFFFFFFD8  }
0xcd: {  	[tilespmem:s21], [sflag:$0x3] =	stream.linear.gather [hbm4b:s19+s4], $0x28, $0x38;
	[tilespmem:$0x1F9A0] =	vst v63  }
0xce: {  	_ =	swait.ge [sflag:s18], $0x28  }
0xcf: {  	[sflag:s18] =	ssyncset.done $0x0  }
0xd0: {  	[sflag:s18] =	ssyncadd.s32 $0xFFFFFFD8  }
0xd1: {  	[tilespmem:s23], [sflag:$0x1] =	stream.indirect.gather [hbm4b:s5+s22], $0x44, s20, s22, $0xb8;
	[tilespmem:$0x1F9A0] =	vst v63  }
0xd2: {  	_ =	swait.ge [sflag:s30], $0xAA0  }
0xd3: {  	[sflag:s30] =	ssyncset.done $0x0  }
0xd4: {  	[sflag:s30] =	ssyncadd.s32 $0xFFFFF560  }
0xd5: {  	[spmem:s2] =	stream.indirect.scatter.add.f32 [tilespmem:s28], [sflag:$0x3], $0x44, s26, s22, $0xb8;
	[tilespmem:$0x1F9A0] =	vst v63  }
0xd6: {  	s3 =	simm.s32 $0xFFFFF650;
	_ =	swait.ge [sflag:s18], $0xAA0  }
0xd7: {  	s7 =	sadd.s32 $0xFFFFF650, s17;
	s1 =	simm.s32 $0xFFFFF65A;
	[sflag:s18] =	ssyncset.done $0x0  }
.LBB2_3:
0xd8: {  	s8 =	sadd.s32 $0x9BF, s7  }
0xd9: {  	[sflag:s18] =	ssyncadd.s32 $0xFFFFF560;
	s9 =	smov.u32 s1;
	s19 =	sadd.s32 $0xA, s1  }
0xda: {  	[tilespmem:s25], [sflag:$0x3] =	stream.linear.gather [hbm4b:s8+s4], $0x28, $0x38;
	[tilespmem:$0x1F9A0] =	vst v63  }
0xdb: {  	p1 =	seq.s32 s1, $0xFFFFFFF6;
	_ =	swait.ge [sflag:s18], $0x28  }
0xdc: {  	s1 =	sadd.s32 s3, s16;
	s3 =	smov.u32 s9;
	[sflag:s18] =	ssyncset.done $0x0  }
0xdd: {  	s8 =	sadd.s32 $0x9BF, s1;
	[sflag:s18] =	ssyncadd.s32 $0xFFFFFFD8  }
0xde: {  	[tilespmem:s26], [sflag:$0x3] =	stream.linear.gather [hbm4b:s8+s4], $0x28, $0x38;
	[tilespmem:$0x1F9A0] =	vst v63  }
0xdf: {  	_ =	swait.ge [sflag:s18], $0x28  }
0xe0: {  	[sflag:s18] =	ssyncset.done $0x0  }
0xe1: {  	[sflag:s18] =	ssyncadd.s32 $0xFFFFFFD8  }
0xe2: {  	[tilespmem:s28], [sflag:$0x2] =	stream.indirect.gather [hbm4b:s5+s22], $0x44, s25, s22, $0xb8;
	[tilespmem:$0x1F9A0] =	vst v63  }
0xe3: {  	_ =	swait.ge [sflag:s29], $0xAA0  }
0xe4: {  	[sflag:s29] =	ssyncset.done $0x0  }
0xe5: {  	[sflag:s29] =	ssyncadd.s32 $0xFFFFF560  }
0xe6: {  	[spmem:s2] =	stream.indirect.scatter.add.f32 [tilespmem:s23], [sflag:$0x3], $0x44, s21, s22, $0xb8;
	[tilespmem:$0x1F9A0] =	vst v63  }
0xe7: {  	_ =	swait.ge [sflag:s18], $0xAA0  }
0xe8: {  	[sflag:s18] =	ssyncset.done $0x0  }
0xe9: {  	s7 =	sadd.s32 $0x9C4, s7;
	[sflag:s18] =	ssyncadd.s32 $0xFFFFF560  }
0xea: {  	[tilespmem:s20], [sflag:$0x3] =	stream.linear.gather [hbm4b:s7+s4], $0x28, $0x38;
	[tilespmem:$0x1F9A0] =	vst v63  }
0xeb: {  	_ =	swait.ge [sflag:s18], $0x28  }
0xec: {  	[sflag:s18] =	ssyncset.done $0x0  }
0xed: {  	s1 =	sadd.s32 $0x9C4, s1;
	[sflag:s18] =	ssyncadd.s32 $0xFFFFFFD8  }
0xee: {  	[tilespmem:s21], [sflag:$0x3] =	stream.linear.gather [hbm4b:s1+s4], $0x28, $0x38;
	[tilespmem:$0x1F9A0] =	vst v63  }
0xef: {  	_ =	swait.ge [sflag:s18], $0x28  }
0xf0: {  	[sflag:s18] =	ssyncset.done $0x0  }
0xf1: {  	[sflag:s18] =	ssyncadd.s32 $0xFFFFFFD8  }
0xf2: {  	[tilespmem:s23], [sflag:$0x1] =	stream.indirect.gather [hbm4b:s5+s22], $0x44, s20, s22, $0xb8;
	[tilespmem:$0x1F9A0] =	vst v63  }
0xf3: {  	_ =	swait.ge [sflag:s30], $0xAA0  }
.Ltmp5:
0xf4: {  	[sflag:s30] =	ssyncset.done $0x0;
	(pc) =	sbr.rel @!p1 .LBB2_3-.Ltmp5, $4  }
0xf5: {  	[sflag:s30] =	ssyncadd.s32 $0xFFFFF560  }
0xf6: {  	[spmem:s2] =	stream.indirect.scatter.add.f32 [tilespmem:s28], [sflag:$0x3], $0x44, s26, s22, $0xb8;
	[tilespmem:$0x1F9A0] =	vst v63  }
0xf7: {  	_ =	swait.ge [sflag:s18], $0xAA0  }
0xf8: {  	s7 =	sadd.s32 s3, s17;
	s1 =	smov.u32 s19;
	[sflag:s18] =	ssyncset.done $0x0  }
0xf9: {  	s1 =	sadd.s32 $0x9BF, s7;
	[sflag:s18] =	ssyncadd.s32 $0xFFFFF560  }
0xfa: {  	[tilespmem:s25], [sflag:$0x3] =	stream.linear.gather [hbm4b:s1+s4], $0x28, $0x38;
	[tilespmem:$0x1F9A0] =	vst v63  }
0xfb: {  	_ =	swait.ge [sflag:s18], $0x28  }
0xfc: {  	s9 =	sadd.s32 s3, s16;
	[sflag:s18] =	ssyncset.done $0x0  }
0xfd: {  	s3 =	sadd.s32 $0x9BF, s9;
	[sflag:s18] =	ssyncadd.s32 $0xFFFFFFD8  }
0xfe: {  	[tilespmem:s26], [sflag:$0x3] =	stream.linear.gather [hbm4b:s3+s4], $0x28, $0x38;
	[tilespmem:$0x1F9A0] =	vst v63  }
0xff: {  	_ =	swait.ge [sflag:s18], $0x28  }
0x100: {  	[sflag:s18] =	ssyncset.done $0x0  }
0x101: {  	[sflag:s18] =	ssyncadd.s32 $0xFFFFFFD8  }
0x102: {  	[tilespmem:s28], [sflag:$0x2] =	stream.indirect.gather [hbm4b:s5+s22], $0x44, s25, s22, $0xb8;
	[tilespmem:$0x1F9A0] =	vst v63  }
0x103: {  	_ =	swait.ge [sflag:s29], $0xAA0  }
0x104: {  	[sflag:s29] =	ssyncset.done $0x0  }
0x105: {  	[sflag:s29] =	ssyncadd.s32 $0xFFFFF560  }
0x106: {  	[spmem:s2] =	stream.indirect.scatter.add.f32 [tilespmem:s23], [sflag:$0x3], $0x44, s21, s22, $0xb8;
	[tilespmem:$0x1F9A0] =	vst v63  }
0x107: {  	_ =	swait.ge [sflag:s18], $0xAA0  }
0x108: {  	[sflag:s18] =	ssyncset.done $0x0  }
0x109: {  	s19 =	sadd.s32 $0x9C4, s7;
	[sflag:s18] =	ssyncadd.s32 $0xFFFFF560  }
0x10a: {  	[tilespmem:s20], [sflag:$0x3] =	stream.linear.gather [hbm4b:s19+s4], $0x28, $0x38;
	[tilespmem:$0x1F9A0] =	vst v63  }
0x10b: {  	_ =	swait.ge [sflag:s18], $0x28  }
0x10c: {  	[sflag:s18] =	ssyncset.done $0x0  }
0x10d: {  	s1 =	sadd.s32 $0x9C4, s9;
	[sflag:s18] =	ssyncadd.s32 $0xFFFFFFD8  }
0x10e: {  	[tilespmem:s21], [sflag:$0x3] =	stream.linear.gather [hbm4b:s1+s4], $0x28, $0x38;
	[tilespmem:$0x1F9A0] =	vst v63  }
0x10f: {  	_ =	swait.ge [sflag:s18], $0x28  }
0x110: {  	[sflag:s18] =	ssyncset.done $0x0  }
0x111: {  	[sflag:s18] =	ssyncadd.s32 $0xFFFFFFD8  }
0x112: {  	[tilespmem:s23], [sflag:$0x1] =	stream.indirect.gather [hbm4b:s5+s22], $0x44, s20, s22, $0xb8;
	[tilespmem:$0x1F9A0] =	vst v63  }
0x113: {  	_ =	swait.ge [sflag:s30], $0xAA0  }
0x114: {  	[sflag:s30] =	ssyncset.done $0x0  }
.Ltmp6:
0x115: {  	[sflag:s30] =	ssyncadd.s32 $0xFFFFF560;
	(pc) =	sbr.rel .LBB2_8-.Ltmp6, $4  }
0x116: {  	[spmem:s2] =	stream.indirect.scatter.add.f32 [tilespmem:s28], [sflag:$0x3], $0x44, s26, s22, $0xb8;
	[tilespmem:$0x1F9A0] =	vst v63  }
0x117: {  	_ =	swait.ge [sflag:s18], $0xAA0  }
0x118: {  	[sflag:s18] =	ssyncset.done $0x0  }
0x119: {  	s1 =	smov.u32 s5;
	[sflag:s18] =	ssyncadd.s32 $0xFFFFF560  }
.LBB2_9:
0x11a: {  	_ =	sfence.sel $0x180000  }
0x11b: {  	[bflag:$0x0] =	sbarrier.arrive $0xFFFF  }
0x11c: {  	_ =	strace $0x9000004A  }
0x11d: {  	s0 =	stileid.u32;
	[bflag:$0x2] =	sbarrier.arrive $0xFFFF  }
0x11e: {  	p0 =	sne.s32 s0, $0x0;
	s0 =	rddreg [dreg:$0x3]  }
0x11f: {  	s0 =	sadd.s32 @!p0 $0x100000, s0  }
0x120: {  	[sflag:s0] =	ssyncadd.tile.s32 @!p0 $0x1;
	_ =	shalt  }
.Lfunc_end2:
_tile_overlayer_lowered:
.L_overlay_start_2:
0x121: {  	(tag) =	ssettag $0x2  }
0x122: {  	s0 =	rddreg [dreg:$0x0];
	s2 =	stileid.u32  }
0x123: {  	s1 =	rddreg [dreg:$0x1];
	p0 =	sne.s32 s2, $0x0  }
0x124: {  	s3 =	rddreg [dreg:$0x2];
	[bflag:$0x3] =	sbarrier.arrive $0xFFFF;
	s2 =	simm.s32 @!p0 $0x1C03  }
0x125: {  	[timem:s3], [sflag:s2] =	dma.local @!p0 [hbm:s0], s1  }
0x126: {  	s0 =	simm.s32 @!p0 $0x3  }
0x127: {  	_ =	swait.ge @!p0 [sflag:s0], s1  }
0x128: {  	s1 =	ssub.s32 @!p0 $0x0, s1;
	[sflag:s0] =	ssyncset.done @!p0 $0x0  }
0x129: {  	[sflag:s0] =	ssyncadd.s32 @!p0 s1  }
0x12a: {  	[bflag:$0x3] =	sbarrier.arrive $0xFFFF  }
0x12b: {  	_ =	shalt  }

// kernel: kernel.8.cloned.1.call-start
scs
__scs_entry_jumppad:
0x0: {  	(pc) =	sbr.rel $0x88, $3  }
0x1: {  	(tag) =	ssettag $0x0;
	lr =	simm.s32 $0x1  }
0x2: {  	[smem:$0x3F97] =	sst lr;
	_ =	strace $0xD0000000  }
0x3: {  	_ = 	snop  }
0x4: {  	_ = 	snop  }
0x5: {  	_ = 	snop  }
0x6: {  	_ = 	snop  }
0x7: {  	_ = 	snop  }
__scs_overlays_trampoline_lowered:
0x8: {  	[smem:$0x3FA6] =	sst s0  }
0x9: {  	[smem:$0x3FA7] =	sst s1  }
0xa: {  	[smem:$0x3FA8] =	sst s2  }
0xb: {  	[smem:$0x3FA9] =	sst s3  }
0xc: {  	[smem:$0x3FAA] =	sst s4  }
0xd: {  	[smem:$0x3FAB] =	sst s5  }
0xe: {  	[smem:$0x3FAC] =	sst s6  }
0xf: {  	[smem:$0x3FAD] =	sst s7  }
0x10: {  	[smem:$0x3FAE] =	sst s8  }
0x11: {  	[smem:$0x3FAF] =	sst s9;
	s0 =	simm.s32 @!p0 $0x0  }
0x12: {  	s1 =	sld [smem:$0x3F95];
	s0 =	simm.s32 @p0 $0x1  }
0x13: {  	[smem:$0x3FB0] =	sst s0;
	s0 =	simm.s32 @!p1 $0x0  }
0x14: {  	s2 =	sld [smem:$0x3F94];
	s0 =	simm.s32 @p1 $0x1  }
0x15: {  	[smem:$0x3FB1] =	sst s0;
	s0 =	simm.s32 @!p2 $0x0  }
0x16: {  	s3 =	sld [smem:$0x3FDB];
	s0 =	simm.s32 @p2 $0x1  }
0x17: {  	s4 =	simm.s32 $0x1BF5;
	[smem:$0x3FB3] =	sst s0  }
0x18: {  	s0 =	sld [smem:$0x3F96];
	_ =	swait.ge [sflag:s4], $0x0  }
0x19: {  	s7 =	sld [smem:$0x3F97]  }
0x1a: {  	s8 =	sadd.s32 $0xFFFFE003, lr  }
0x1b: {  	s9 =	sadd.s32 $0xFFFFFEF7, lr;
	s5 =	simm.s32 $0xFFFFFFFF;
	p2 =	slt.u32 s8, $0xFFFFF086  }
0x1c: {  	p1 =	slt.u32 s9, $0xF7A;
	s5 =	simm.s32 @!p2 $0x0  }
0x1d: {  	s5 =	simm.s32 @p1 $0x1;
	p0 =	seq.s32 s7, s2  }
0x1e: {  	s7 =	smul.u32 @!p0 $0xF7A, s2;
	p2 =	seq.s32 @!p0 s5, $0x0  }
0x1f: {  	s9 =	smul.u32 $0xF7A, s1;
	s8 =	simm.s32 @!p0 $0x1BF5;
	p2 =	por !p2, p0  }
0x20: {  	[sflag:s8] =	ssyncset.s32 @!p0 $0xFFFFF086;
	s6 =	sadd.s32 @!p0 s3, s7;
	s7 =	simm.s32 @!p0 $0x108  }
0x21: {  	s3 =	sadd.s32 s3, s9;
	s6 =	sadd.s32 @!p0 $0x88, s6;
	s7 =	simm.s32 @p2 $0x1082  }
0x22: {  	[simem:s7], [sflag:s8] =	dma.local @!p0 [hbm:s6], $0xF7A  }
0x23: {  	s9 =	sor.u32 $0xD0000000, s2;
	s6 =	simm.s32 $0x108;
	_ =	swait.ge @!p0 [sflag:s8], $0x0  }
0x24: {  	s3 =	sadd.s32 $0x88, s3;
	s6 =	simm.s32 @!p1 $0x1082;
	[sflag:s4] =	ssyncset.s32 $0xFFFFF086  }
0x25: {  	[simem:s6], [sflag:s4] =	dma.local [hbm:s3], $0xF7A  }
0x26: {  	[smem:$0x3F97] =	sst s1;
	(tag) =	ssettag s2;
	_ =	strace s9  }
0x27: {  	s1 =	sld [smem:$0x3FA7]  }
0x28: {  	s2 =	sld [smem:$0x3FA8]  }
0x29: {  	s4 =	sld [smem:$0x3FAA]  }
0x2a: {  	p0 =	seq.s32 s5, $0x0;
	s5 =	sld [smem:$0x3FAB]  }
0x2b: {  	s6 =	sld [smem:$0x3FAC]  }
0x2c: {  	s7 =	sld [smem:$0x3FAD]  }
0x2d: {  	s3 =	simm.s32 $0x108;
	s8 =	sld [smem:$0x3FAE]  }
0x2e: {  	s3 =	simm.s32 @!p0 $0x1082;
	s9 =	sld [smem:$0x3FAF]  }
0x2f: {  	lr =	sadd.s32 s0, s3;
	s0 =	sld [smem:$0x3FA6]  }
0x30: {  	s3 =	sld [smem:$0x3FA9]  }
0x31: {  	[smem:$0x3FB2] =	sst s10  }
0x32: {  	s10 =	sld [smem:$0x3FB0];
	_ =	sdelay $0x3  }
0x33: {  	p0 =	seq.s32 s10, $0x1;
	s10 =	sld [smem:$0x3FB2];
	_ =	sdelay $0x3  }
0x34: {  	[smem:$0x3FB2] =	sst s10  }
0x35: {  	s10 =	sld [smem:$0x3FB1];
	_ =	sdelay $0x3  }
0x36: {  	p1 =	seq.s32 s10, $0x1;
	s10 =	sld [smem:$0x3FB2];
	_ =	sdelay $0x3  }
0x37: {  	[smem:$0x3FB2] =	sst s10  }
0x38: {  	s10 =	sld [smem:$0x3FB3]  }
0x39: {  	_ = 	snop;
	(pc) =	sbr.ind lr, $3  }
0x3a: {  	_ = 	snop  }
0x3b: {  	_ = 	snop  }
0x3c: {  	p2 =	seq.s32 s10, $0x1;
	s10 =	sld [smem:$0x3FB2]  }
0x3d: {  	_ =	shalt  }
0x3e: {  	_ =	shalt  }
0x3f: {  	_ =	shalt  }
0x40: {  	_ =	shalt  }
0x41: {  	_ =	shalt  }
0x42: {  	_ =	shalt  }
0x43: {  	_ =	shalt  }
0x44: {  	_ =	shalt  }
0x45: {  	_ =	shalt  }
0x46: {  	_ =	shalt  }
0x47: {  	_ =	shalt  }
0x48: {  	_ =	shalt  }
0x49: {  	_ =	shalt  }
0x4a: {  	_ =	shalt  }
0x4b: {  	_ =	shalt  }
0x4c: {  	_ =	shalt  }
0x4d: {  	_ =	shalt  }
0x4e: {  	_ =	shalt  }
0x4f: {  	_ =	shalt  }
0x50: {  	_ =	shalt  }
0x51: {  	_ =	shalt  }
0x52: {  	_ =	shalt  }
0x53: {  	_ =	shalt  }
0x54: {  	_ =	shalt  }
0x55: {  	_ =	shalt  }
0x56: {  	_ =	shalt  }
0x57: {  	_ =	shalt  }
0x58: {  	_ =	shalt  }
0x59: {  	_ =	shalt  }
0x5a: {  	_ =	shalt  }
0x5b: {  	_ =	shalt  }
0x5c: {  	_ =	shalt  }
0x5d: {  	_ =	shalt  }
0x5e: {  	_ =	shalt  }
0x5f: {  	_ =	shalt  }
0x60: {  	_ =	shalt  }
0x61: {  	_ =	shalt  }
0x62: {  	_ =	shalt  }
0x63: {  	_ =	shalt  }
0x64: {  	_ =	shalt  }
0x65: {  	_ =	shalt  }
0x66: {  	_ =	shalt  }
0x67: {  	_ =	shalt  }
0x68: {  	_ =	shalt  }
0x69: {  	_ =	shalt  }
0x6a: {  	_ =	shalt  }
0x6b: {  	_ =	shalt  }
0x6c: {  	_ =	shalt  }
0x6d: {  	_ =	shalt  }
0x6e: {  	_ =	shalt  }
0x6f: {  	_ =	shalt  }
0x70: {  	_ =	shalt  }
0x71: {  	_ =	shalt  }
0x72: {  	_ =	shalt  }
0x73: {  	_ =	shalt  }
0x74: {  	_ =	shalt  }
0x75: {  	_ =	shalt  }
0x76: {  	_ =	shalt  }
0x77: {  	_ =	shalt  }
0x78: {  	_ =	shalt  }
0x79: {  	_ =	shalt  }
0x7a: {  	_ =	shalt  }
0x7b: {  	_ =	shalt  }
0x7c: {  	_ =	shalt  }
0x7d: {  	_ =	shalt  }
0x7e: {  	_ =	shalt  }
0x7f: {  	_ =	shalt  }
0x80: {  	_ =	shalt  }
0x81: {  	_ =	shalt  }
0x82: {  	_ =	shalt  }
0x83: {  	_ =	shalt  }
0x84: {  	_ =	shalt  }
0x85: {  	_ =	shalt  }
0x86: {  	_ =	shalt  }
0x87: {  	_ =	shalt  }
.Lfunc_end0:
.L_simem_size_0:
called_computation_lowered:
.L_overlay_start_0:
0x88: {  	s2 =	sld [smem:$0x3FD9]  }
0x89: {  	s3 =	sld [smem:$0x3FFE];
	_ =	sdelay $0x1  }
0x8a: {  	s1 =	srdreg.scid  }
0x8b: {  	s0 =	sand.u32 $0x1, s1  }
0x8c: {  	s17 =	sshll.u32 s0, $0xA;
	s2 =	sadd.s32 s3, s2  }
0x8d: {  	s2 =	sadd.s32 s2, s17  }
0x8e: {  	[smem:$0x3FBE] =	sst s2  }
0x8f: {  	_ = 	snop  }
0x90: {  	s2 =	sld [smem:$0x3FD0];
	(tm) =	ssettm $0x1  }
0x91: {  	s18 =	sld [smem:$0x3FFB];
	_ =	sdelay $0x3  }
0x92: {  	_ =	strace s18  }
0x93: {  	s3 =	sld [smem:$0x3FFC];
	_ =	sdelay $0x3  }
0x94: {  	_ =	strace s3  }
0x95: {  	s3 =	sld [smem:$0x3FFD];
	_ =	sdelay $0x3  }
0x96: {  	_ =	strace s3  }
0x97: {  	_ =	strace $0x8FFFFFFF  }
0x98: {  	s19 =	sld [smem:$0x3FDB];
	_ =	sdelay $0x1  }
0x99: {  	s4 =	simm.s32 $_scs_section_size  }
0x9a: {  	s5 =	simm.s32 $_size__tile_overlayer_lowered;
	s6 =	simm.s32 $_tile_overlayer_lowered  }
0x9b: {  	s22 =	simm.s32 $0x1BFF;
	s21 =	sshll.u32 s6, $0x1;
	s3 =	sadd.s32 s4, s19  }
0x9c: {  	s7 =	simm.s32 $0x0;
	s20 =	sshll.u32 s5, $0x1;
	s5 =	sadd.s32 s21, s3  }
0x9d: {  	[timem:s7], [sflag:s22] =	dma.local [hbm:s5], s20  }
0x9e: {  	_ =	swait.ge [sflag:s22], s20  }
0x9f: {  	s4 =	ssub.s32 $0x0, s20;
	[sflag:s22] =	ssyncset.done $0x0  }
0xa0: {  	[sflag:s22] =	ssyncadd.s32 s4;
	_ =	sdelay $0x1  }
0xa1: {  	s23 =	simm.s32 $0x1B8B  }
0xa2: {  	_ =	swait.ge [sflag:s23], $0x1  }
0xa3: {  	[sflag:s23] =	ssyncset.done $0x0  }
0xa4: {  	s25 =	simm.s32 $0x1B8E;
	s24 =	sld [smem:$0x3FFE];
	[sflag:s23] =	ssyncadd.s32 $0xFFFFFFFF  }
0xa5: {  	s26 =	simm.s32 $execute0_lowered;
	[smem:$0x3FD2] =	sst s25  }
0xa6: {  	s5 =	sshll.u32 s26, $0x1;
	_ =	strace $0x80000046;
	[dreg:$0x1] =	wrdreg $0xFFFFFFFF  }
0xa7: {  	s28 =	simm.s32 $_size_execute0_lowered;
	s3 =	sadd.s32 s3, s5;
	[dreg:$0x0] =	wrdreg $0x0  }
0xa8: {  	s5 =	sshll.u32 s28, $0x1;
	[dreg:$0x2] =	wrdreg s3  }
0xa9: {  	[dreg:$0x3] =	wrdreg s5  }
0xaa: {  	[dreg:$0x4] =	wrdreg $0xC0  }
0xab: {  	_ =	task [dreg:s7], $0x5FFFF  }
0xac: {  	[dreg:$0x1] =	wrdreg $0xFFFFFFFF  }
0xad: {  	[dreg:$0x0] =	wrdreg $0x60  }
0xae: {  	[dreg:$0x2] =	wrdreg s24  }
0xaf: {  	[dreg:$0x3] =	wrdreg s2  }
0xb0: {  	[dreg:$0x4] =	wrdreg $0x0  }
0xb1: {  	[dreg:$0x5] =	wrdreg $0x9  }
0xb2: {  	_ =	task.clear_ibuf [dreg:s7], $0x6FFFF;
	_ =	strace $0x90000046  }
0xb3: {  	s29 =	simm.s32 $0x9;
	_ =	strace $0x80000048  }
0xb4: {  	_ =	swait.ge [sflag:s29], $0x1  }
0xb5: {  	[sflag:s29] =	ssyncadd.s32 $0xFFFFFFFF  }
0xb6: {  	_ =	strace $0x90000048  }
0xb7: {  	_ =	sfence  }
0xb8: {  	s30 =	sld [smem:$0x0];
	_ =	sdelay $0x2  }
0xb9: {  	s31 =	sshll.u32 s1, $0xD;
	s1 =	sshrl.u32 s1, $0x2  }
0xba: {  	s3 =	sand.u32 $0x4000, s31;
	s1 =	sadd.s32 s1, s30  }
0xbb: {  	s0 =	sor.u32 s3, s0;
	s1 =	sshll.u32 s1, $0x11  }
0xbc: {  	s0 =	sor.u32 s1, s0  }
0xbd: {  	s0 =	sadd.s32 $0x8F2B, s0  }
0xbe: {  	[sflag:s0] =	ssyncadd.remote.s32 $0x1  }
0xbf: {  	_ =	sfence.sel $0xFFFF  }
0xc0: {  	[dreg:$0x0] =	wrdreg $0xFFFFFFFF;
	(pc) =	sbr.abs _section_cstart, $3  }
0xc1: {  	[dreg:$0x1] =	wrdreg $0xFFFFFFFF  }
0xc2: {  	_ =	task.clear_ibuf [dreg:s7], $0x2FFFF;
	_ =	strace $0x9FFFFFFF  }
0xc3: {  	(tm) =	ssettm $0x7FFFFFFF  }
tec
execute0_lowered:
.L_overlay_start_1:
0x0: {  	(tag) =	ssettag $0x1  }
0x1: {  	s0 =	rddreg [dreg:$0x0]  }
0x2: {  	s2 =	rddreg [dreg:$0x2];
	s4 =	simm.s32 $0x0;
	s15 =	stileid.u32  }
0x3: {  	s8 =	srdreg.scid;
	s18 =	simm.s32 $0x3;
	s20 =	simm.s32 $0xAA00  }
0x4: {  	s21 =	simm.s32 $0xAA28;
	s28 =	simm.s32 $0xB5E0;
	s29 =	simm.s32 $0x1  }
0x5: {  	s30 =	simm.s32 $0x2;
	s31 =	simm.s32 $0x0;
	[smem:$0x7FF] =	sst s4  }
0x6: {  	s1 =	sadd.s32 $0x61000, s0;
	s3 =	sadd.s32 $0x57200, s0;
	s7 =	smul.u32 $0xB400, s15  }
0x7: {  	s5 =	sadd.s32 $0x3EA00, s0;
	s6 =	sadd.s32 $0x28A00, s0;
	s14 =	smul.u32 $0x4E20, s15  }
0x8: {  	s11 =	sand.u32 $0x1, s8;
	s10 =	sadd.s32 $0x54A00, s0;
	s17 =	smul.u32 $0x9C4, s15  }
0x9: {  	s24 =	sshll.u32 s15, $0x6;
	_ =	strace $0x80000047;
	s8 =	smul.u32 $0x16800, s11  }
0xa: {  	s9 =	ssub.s32 $0x2, s11;
	[dreg:$0x4] =	wrdreg s10;
	s10 =	sor.u32 $0x1C03, s24  }
0xb: {  	p0 =	seq.s32 s11, $0x1;
	s19 =	sshrl.u32 s7, $0x3;
	s12 =	sshrl.u32 s9, $0x1  }
0xc: {  	s7 =	sadd.s32 s7, s2;
	s25 =	sshrl.u32 s14, $0x3;
	s26 =	sadd.s32 $0x4DF8, s14  }
0xd: {  	s16 =	sadd.s32 s17, s3;
	s17 =	sadd.s32 s17, s1;
	s22 =	sadd.s32 s19, s0  }
0xe: {  	s0 =	sadd.s32 s8, s0;
	s13 =	ssub.s32 s9, s12;
	[dreg:$0x5] =	wrdreg s7  }
.Ltmp0:
0xf: {  	s11 =	sadd.s32 s1, s25;
	s12 =	sadd.s32 s3, s25;
	(pc) =	sbr.rel .LBB2_1-.Ltmp0, $4  }
0x10: {  	s7 =	sshrl.u32 s26, $0x3;
	s25 =	simm.s32 $0xB590;
	s26 =	simm.s32 $0xB5B8  }
0x11: {  	s23 =	sadd.s32 $0x6AE00, s22;
	s0 =	sadd.s32 $0x81600, s0;
	s13 =	smax.u32 s13, $0x1  }
0x12: {  	s14 =	sadd.s32 s3, s7;
	s15 =	sadd.s32 s1, s7;
	s22 =	simm.s32 $0x28  }
0x13: {  	[dreg:$0x6] =	wrdreg s23;
	s23 =	simm.s32 $0xAA50;
	s24 =	sadd.s32 s19, s0  }
.LBB2_7:
0x14: {  	s1 =	sadd.s32 $0x9BF, s7;
	[sflag:s18] =	ssyncadd.s32 $0xFFFFF560  }
0x15: {  	[tilespmem:s25], [sflag:$0x3] =	stream.linear.gather [hbm4b:s1+s4], $0x28, $0x38;
	[tilespmem:$0x1F9A0] =	vst v63  }
0x16: {  	_ =	swait.ge [sflag:s18], $0x28  }
0x17: {  	s9 =	sadd.s32 s3, s16;
	[sflag:s18] =	ssyncset.done $0x0  }
0x18: {  	s3 =	sadd.s32 $0x9BF, s9;
	[sflag:s18] =	ssyncadd.s32 $0xFFFFFFD8  }
0x19: {  	[tilespmem:s26], [sflag:$0x3] =	stream.linear.gather [hbm4b:s3+s4], $0x28, $0x38;
	[tilespmem:$0x1F9A0] =	vst v63  }
0x1a: {  	_ =	swait.ge [sflag:s18], $0x28  }
0x1b: {  	[sflag:s18] =	ssyncset.done $0x0  }
0x1c: {  	[sflag:s18] =	ssyncadd.s32 $0xFFFFFFD8  }
0x1d: {  	[tilespmem:s28], [sflag:$0x2] =	stream.indirect.gather [hbm4b:s6+s22], $0x44, s25, s22, $0xb8;
	[tilespmem:$0x1F9A0] =	vst v63  }
0x1e: {  	_ =	swait.ge [sflag:s29], $0xAA0  }
0x1f: {  	[sflag:s29] =	ssyncset.done $0x0  }
0x20: {  	[sflag:s29] =	ssyncadd.s32 $0xFFFFF560  }
0x21: {  	[spmem:s2] =	stream.indirect.scatter.add.f32 [tilespmem:s23], [sflag:$0x3], $0x44, s21, s22, $0xb8;
	[tilespmem:$0x1F9A0] =	vst v63  }
0x22: {  	_ =	swait.ge [sflag:s18], $0xAA0  }
0x23: {  	[sflag:s18] =	ssyncset.done $0x0  }
0x24: {  	s19 =	sadd.s32 $0x9C4, s7;
	[sflag:s18] =	ssyncadd.s32 $0xFFFFF560  }
0x25: {  	[tilespmem:s20], [sflag:$0x3] =	stream.linear.gather [hbm4b:s19+s4], $0x28, $0x38;
	[tilespmem:$0x1F9A0] =	vst v63  }
0x26: {  	_ =	swait.ge [sflag:s18], $0x28  }
0x27: {  	[sflag:s18] =	ssyncset.done $0x0  }
0x28: {  	s1 =	sadd.s32 $0x9C4, s9;
	[sflag:s18] =	ssyncadd.s32 $0xFFFFFFD8  }
0x29: {  	[tilespmem:s21], [sflag:$0x3] =	stream.linear.gather [hbm4b:s1+s4], $0x28, $0x38;
	[tilespmem:$0x1F9A0] =	vst v63  }
0x2a: {  	_ =	swait.ge [sflag:s18], $0x28  }
0x2b: {  	[sflag:s18] =	ssyncset.done $0x0  }
0x2c: {  	[sflag:s18] =	ssyncadd.s32 $0xFFFFFFD8  }
0x2d: {  	[tilespmem:s23], [sflag:$0x1] =	stream.indirect.gather [hbm4b:s6+s22], $0x44, s20, s22, $0xb8;
	[tilespmem:$0x1F9A0] =	vst v63  }
0x2e: {  	_ =	swait.ge [sflag:s30], $0xAA0  }
0x2f: {  	[sflag:s30] =	ssyncset.done $0x0  }
0x30: {  	[sflag:s30] =	ssyncadd.s32 $0xFFFFF560  }
0x31: {  	[spmem:s2] =	stream.indirect.scatter.add.f32 [tilespmem:s28], [sflag:$0x3], $0x44, s26, s22, $0xb8;
	[tilespmem:$0x1F9A0] =	vst v63  }
0x32: {  	_ =	swait.ge [sflag:s18], $0xAA0  }
0x33: {  	[sflag:s18] =	ssyncset.done $0x0  }
0x34: {  	s1 =	smov.u32 s6;
	[sflag:s18] =	ssyncadd.s32 $0xFFFFF560  }
.LBB2_8:
0x35: {  	[tilespmem:s25], [sflag:$0x3] =	stream.linear.gather [hbm4b:s15+s4], $0x28, $0x38;
	[tilespmem:$0x1F9A0] =	vst v63  }
0x36: {  	_ =	swait.ge [sflag:s18], $0x28  }
0x37: {  	[sflag:s18] =	ssyncset.done $0x0  }
0x38: {  	[sflag:s18] =	ssyncadd.s32 $0xFFFFFFD8  }
0x39: {  	[tilespmem:s26], [sflag:$0x3] =	stream.linear.gather [hbm4b:s14+s4], $0x28, $0x38;
	[tilespmem:$0x1F9A0] =	vst v63  }
0x3a: {  	_ =	swait.ge [sflag:s18], $0x28  }
0x3b: {  	[sflag:s18] =	ssyncset.done $0x0  }
0x3c: {  	[sflag:s18] =	ssyncadd.s32 $0xFFFFFFD8  }
0x3d: {  	[tilespmem:s28], [sflag:$0x2] =	stream.indirect.gather [hbm4b:s1+s22], $0x44, s25, s22, $0xb8;
	[tilespmem:$0x1F9A0] =	vst v63  }
0x3e: {  	_ =	swait.ge [sflag:s29], $0xAA0  }
0x3f: {  	[sflag:s29] =	ssyncset.done $0x0  }
0x40: {  	[sflag:s29] =	ssyncadd.s32 $0xFFFFF560  }
0x41: {  	[spmem:s2] =	stream.indirect.scatter.add.f32 [tilespmem:s23], [sflag:$0x3], $0x44, s21, s22, $0xb8;
	[tilespmem:$0x1F9A0] =	vst v63  }
0x42: {  	_ =	swait.ge [sflag:s18], $0xAA0  }
0x43: {  	[sflag:s18] =	ssyncset.done $0x0  }
0x44: {  	[sflag:s18] =	ssyncadd.s32 $0xFFFFF560  }
0x45: {  	_ =	swait.ge [sflag:s30], $0xAA0  }
0x46: {  	[sflag:s30] =	ssyncset.done $0x0  }
0x47: {  	[sflag:s30] =	ssyncadd.s32 $0xFFFFF560  }
0x48: {  	[spmem:s2] =	stream.indirect.scatter.add.f32 [tilespmem:s28], [sflag:$0x3], $0x44, s26, s22, $0xb8;
	[tilespmem:$0x1F9A0] =	vst v63  }
0x49: {  	_ =	swait.ge [sflag:s18], $0xAA0  }
0x4a: {  	s31 =	sadd.s32 $0x1, s31;
	[sflag:s18] =	ssyncset.done $0x0  }
0x4b: {  	p1 =	sne.s32 s31, s13;
	[sflag:s18] =	ssyncadd.s32 $0xFFFFF560  }
.Ltmp1:
0x4c: {  	[bflag:$0x0] =	sbarrier.arrive $0xFFFF;
	(pc) =	sbr.rel @!p1 .LBB2_9-.Ltmp1, $4  }
0x4d: {  	[hbm:s24], [sflag:s10] =	dma.local [spmem:s0], $0x1680  }
0x4e: {  	_ =	swait.ge [sflag:s18], $0x1680  }
0x4f: {  	[sflag:s18] =	ssyncset.done $0x0  }
0x50: {  	[sflag:s18] =	ssyncadd.s32 $0xFFFFE980  }
.LBB2_1:
0x51: {  	s0 =	rddreg [dreg:$0x5]  }
.Ltmp2:
0x52: {  	s1 =	rddreg [dreg:$0x6];
	s0 =	sshrl.u32 s0, $0x3;
	(pc) =	sbr.rel @!p0 .LBB2_2-.Ltmp2, $4  }
0x53: {  	[spmem:s0], [sflag:s10] =	dma.local [hbm:s1], $0x1680  }
0x54: {  	_ =	swait.ge [sflag:s18], $0x1680  }
0x55: {  	[sflag:s18] =	ssyncset.done $0x0  }
0x56: {  	[sflag:s18] =	ssyncadd.s32 $0xFFFFE980  }
0x57: {  	s1 =	rddreg [dreg:$0x4];
	s3 =	simm.s32 $0xC120  }
0x58: {  	[tilespmem:s3], [sflag:$0x3] =	stream.linear.gather [hbm4b:s1+s4], $0x13880, $0x38;
	[tilespmem:$0x1F9A0] =	vst v63  }
0x59: {  	_ =	swait.ge [sflag:s18], $0x13880  }
0x5a: {  	[sflag:s18] =	ssyncset.done $0x0  }
0x5b: {  	[sflag:s18] =	ssyncadd.s32 $0xFFFEC780  }
0x5c: {  	[bflag:$0x0] =	sbarrier.arrive $0xFFFF  }
0x5d: {  	[tilespmem:s20], [sflag:$0x3] =	stream.linear.gather [hbm4b:s11+s4], $0x28, $0x38;
	[tilespmem:$0x1F9A0] =	vst v63  }
0x5e: {  	_ =	swait.ge [sflag:s18], $0x28  }
0x5f: {  	[sflag:s18] =	ssyncset.done $0x0  }
0x60: {  	[sflag:s18] =	ssyncadd.s32 $0xFFFFFFD8  }
0x61: {  	[tilespmem:s21], [sflag:$0x3] =	stream.linear.gather [hbm4b:s12+s4], $0x28, $0x38;
	[tilespmem:$0x1F9A0] =	vst v63  }
0x62: {  	_ =	swait.ge [sflag:s18], $0x28  }
0x63: {  	[sflag:s18] =	ssyncset.done $0x0  }
0x64: {  	s19 =	sadd.s32 $0xFFFFF646, s17;
	[sflag:s18] =	ssyncadd.s32 $0xFFFFFFD8  }
0x65: {  	[tilespmem:s23], [sflag:$0x1] =	stream.indirect.gather [hbm4b:s6+s22], $0x44, s20, s22, $0xb8;
	[tilespmem:$0x1F9A0] =	vst v63  }
0x66: {  	s8 =	sadd.s32 $0x9BF, s19  }
0x67: {  	[tilespmem:s25], [sflag:$0x3] =	stream.linear.gather [hbm4b:s8+s4], $0x28, $0x38;
	[tilespmem:$0x1F9A0] =	vst v63  }
0x68: {  	_ =	swait.ge [sflag:s18], $0x28  }
0x69: {  	s9 =	sadd.s32 $0xFFFFF646, s16;
	[sflag:s18] =	ssyncset.done $0x0  }
0x6a: {  	s7 =	sadd.s32 $0x9BF, s9;
	[sflag:s18] =	ssyncadd.s32 $0xFFFFFFD8  }
0x6b: {  	[tilespmem:s26], [sflag:$0x3] =	stream.linear.gather [hbm4b:s7+s4], $0x28, $0x38;
	[tilespmem:$0x1F9A0] =	vst v63  }
0x6c: {  	_ =	swait.ge [sflag:s18], $0x28  }
0x6d: {  	[sflag:s18] =	ssyncset.done $0x0  }
0x6e: {  	[sflag:s18] =	ssyncadd.s32 $0xFFFFFFD8  }
0x6f: {  	[tilespmem:s28], [sflag:$0x2] =	stream.indirect.gather [hbm4b:s6+s22], $0x44, s25, s22, $0xb8;
	[tilespmem:$0x1F9A0] =	vst v63  }
0x70: {  	_ =	swait.ge [sflag:s29], $0xAA0  }
0x71: {  	[sflag:s29] =	ssyncset.done $0x0  }
0x72: {  	[sflag:s29] =	ssyncadd.s32 $0xFFFFF560  }
0x73: {  	[spmem:s2] =	stream.indirect.scatter.add.f32 [tilespmem:s23], [sflag:$0x3], $0x44, s21, s22, $0xb8;
	[tilespmem:$0x1F9A0] =	vst v63  }
0x74: {  	_ =	swait.ge [sflag:s18], $0xAA0  }
0x75: {  	[sflag:s18] =	ssyncset.done $0x0  }
0x76: {  	s1 =	sadd.s32 $0x9C4, s19;
	[sflag:s18] =	ssyncadd.s32 $0xFFFFF560  }
0x77: {  	[tilespmem:s20], [sflag:$0x3] =	stream.linear.gather [hbm4b:s1+s4], $0x28, $0x38;
	[tilespmem:$0x1F9A0] =	vst v63  }
0x78: {  	_ =	swait.ge [sflag:s18], $0x28  }
0x79: {  	[sflag:s18] =	ssyncset.done $0x0  }
0x7a: {  	s19 =	sadd.s32 $0x9C4, s9;
	[sflag:s18] =	ssyncadd.s32 $0xFFFFFFD8  }
0x7b: {  	[tilespmem:s21], [sflag:$0x3] =	stream.linear.gather [hbm4b:s19+s4], $0x28, $0x38;
	[tilespmem:$0x1F9A0] =	vst v63  }
0x7c: {  	_ =	swait.ge [sflag:s18], $0x28  }
0x7d: {  	[sflag:s18] =	ssyncset.done $0x0  }
0x7e: {  	[sflag:s18] =	ssyncadd.s32 $0xFFFFFFD8  }
0x7f: {  	[tilespmem:s23], [sflag:$0x1] =	stream.indirect.gather [hbm4b:s6+s22], $0x44, s20, s22, $0xb8;
	[tilespmem:$0x1F9A0] =	vst v63  }
0x80: {  	_ =	swait.ge [sflag:s30], $0xAA0  }
0x81: {  	[sflag:s30] =	ssyncset.done $0x0  }
0x82: {  	[sflag:s30] =	ssyncadd.s32 $0xFFFFF560  }
0x83: {  	[spmem:s2] =	stream.indirect.scatter.add.f32 [tilespmem:s28], [sflag:$0x3], $0x44, s26, s22, $0xb8;
	[tilespmem:$0x1F9A0] =	vst v63  }
0x84: {  	s3 =	simm.s32 $0xFFFFF650;
	_ =	swait.ge [sflag:s18], $0xAA0  }
0x85: {  	s7 =	sadd.s32 $0xFFFFF650, s17;
	s19 =	simm.s32 $0xFFFFF65A;
	[sflag:s18] =	ssyncset.done $0x0  }
.LBB2_6:
0x86: {  	s8 =	sadd.s32 $0x9BF, s7  }
0x87: {  	[sflag:s18] =	ssyncadd.s32 $0xFFFFF560;
	s9 =	smov.u32 s19;
	s1 =	sadd.s32 $0xA, s19  }
0x88: {  	[tilespmem:s25], [sflag:$0x3] =	stream.linear.gather [hbm4b:s8+s4], $0x28, $0x38;
	[tilespmem:$0x1F9A0] =	vst v63  }
0x89: {  	p1 =	sne.s32 s19, $0xFFFFFFF6;
	_ =	swait.ge [sflag:s18], $0x28  }
0x8a: {  	s8 =	sadd.s32 s3, s16;
	s3 =	smov.u32 s9;
	[sflag:s18] =	ssyncset.done $0x0  }
0x8b: {  	s9 =	sadd.s32 $0x9BF, s8;
	[sflag:s18] =	ssyncadd.s32 $0xFFFFFFD8  }
0x8c: {  	[tilespmem:s26], [sflag:$0x3] =	stream.linear.gather [hbm4b:s9+s4], $0x28, $0x38;
	[tilespmem:$0x1F9A0] =	vst v63  }
0x8d: {  	_ =	swait.ge [sflag:s18], $0x28  }
0x8e: {  	[sflag:s18] =	ssyncset.done $0x0  }
0x8f: {  	[sflag:s18] =	ssyncadd.s32 $0xFFFFFFD8  }
0x90: {  	[tilespmem:s28], [sflag:$0x2] =	stream.indirect.gather [hbm4b:s6+s22], $0x44, s25, s22, $0xb8;
	[tilespmem:$0x1F9A0] =	vst v63  }
0x91: {  	_ =	swait.ge [sflag:s29], $0xAA0  }
0x92: {  	[sflag:s29] =	ssyncset.done $0x0  }
0x93: {  	[sflag:s29] =	ssyncadd.s32 $0xFFFFF560  }
0x94: {  	[spmem:s2] =	stream.indirect.scatter.add.f32 [tilespmem:s23], [sflag:$0x3], $0x44, s21, s22, $0xb8;
	[tilespmem:$0x1F9A0] =	vst v63  }
0x95: {  	_ =	swait.ge [sflag:s18], $0xAA0  }
0x96: {  	[sflag:s18] =	ssyncset.done $0x0  }
0x97: {  	s7 =	sadd.s32 $0x9C4, s7;
	[sflag:s18] =	ssyncadd.s32 $0xFFFFF560  }
0x98: {  	[tilespmem:s20], [sflag:$0x3] =	stream.linear.gather [hbm4b:s7+s4], $0x28, $0x38;
	[tilespmem:$0x1F9A0] =	vst v63  }
0x99: {  	_ =	swait.ge [sflag:s18], $0x28  }
0x9a: {  	[sflag:s18] =	ssyncset.done $0x0  }
0x9b: {  	s7 =	sadd.s32 $0x9C4, s8;
	[sflag:s18] =	ssyncadd.s32 $0xFFFFFFD8  }
0x9c: {  	[tilespmem:s21], [sflag:$0x3] =	stream.linear.gather [hbm4b:s7+s4], $0x28, $0x38;
	[tilespmem:$0x1F9A0] =	vst v63  }
0x9d: {  	_ =	swait.ge [sflag:s18], $0x28  }
0x9e: {  	[sflag:s18] =	ssyncset.done $0x0  }
0x9f: {  	[sflag:s18] =	ssyncadd.s32 $0xFFFFFFD8  }
0xa0: {  	[tilespmem:s23], [sflag:$0x1] =	stream.indirect.gather [hbm4b:s6+s22], $0x44, s20, s22, $0xb8;
	[tilespmem:$0x1F9A0] =	vst v63  }
0xa1: {  	_ =	swait.ge [sflag:s30], $0xAA0  }
.Ltmp3:
0xa2: {  	[sflag:s30] =	ssyncset.done $0x0;
	(pc) =	sbr.rel @p1 .LBB2_6-.Ltmp3, $4  }
0xa3: {  	[sflag:s30] =	ssyncadd.s32 $0xFFFFF560  }
0xa4: {  	[spmem:s2] =	stream.indirect.scatter.add.f32 [tilespmem:s28], [sflag:$0x3], $0x44, s26, s22, $0xb8;
	[tilespmem:$0x1F9A0] =	vst v63  }
0xa5: {  	_ =	swait.ge [sflag:s18], $0xAA0  }
0xa6: {  	s19 =	smov.u32 s1;
	s7 =	sadd.s32 s3, s17;
	[sflag:s18] =	ssyncset.done $0x0  }
.Ltmp4:
0xa7: {  	_ = 	snop;
	(pc) =	sbr.rel .LBB2_7-.Ltmp4, $1  }
0xa8: {  	_ =	sdelay $0x3  }
.LBB2_2:
0xa9: {  	s1 =	rddreg [dreg:$0x1];
	s3 =	simm.s32 $0xC120  }
0xaa: {  	[tilespmem:s3], [sflag:$0x3] =	stream.linear.gather [hbm4b:s1+s4], $0x13880, $0x38;
	[tilespmem:$0x1F9A0] =	vst v63  }
0xab: {  	_ =	swait.ge [sflag:s18], $0x13880  }
0xac: {  	[sflag:s18] =	ssyncset.done $0x0  }
0xad: {  	[sflag:s18] =	ssyncadd.s32 $0xFFFEC780  }
0xae: {  	[bflag:$0x0] =	sbarrier.arrive $0xFFFF  }
0xaf: {  	[tilespmem:s20], [sflag:$0x3] =	stream.linear.gather [hbm4b:s11+s4], $0x28, $0x38;
	[tilespmem:$0x1F9A0] =	vst v63  }
0xb0: {  	_ =	swait.ge [sflag:s18], $0x28  }
0xb1: {  	[sflag:s18] =	ssyncset.done $0x0  }
0xb2: {  	[sflag:s18] =	ssyncadd.s32 $0xFFFFFFD8  }
0xb3: {  	[tilespmem:s21], [sflag:$0x3] =	stream.linear.gather [hbm4b:s12+s4], $0x28, $0x38;
	[tilespmem:$0x1F9A0] =	vst v63  }
0xb4: {  	_ =	swait.ge [sflag:s18], $0x28  }
0xb5: {  	[sflag:s18] =	ssyncset.done $0x0  }
0xb6: {  	s19 =	sadd.s32 $0xFFFFF646, s17;
	[sflag:s18] =	ssyncadd.s32 $0xFFFFFFD8  }
0xb7: {  	[tilespmem:s23], [sflag:$0x1] =	stream.indirect.gather [hbm4b:s5+s22], $0x44, s20, s22, $0xb8;
	[tilespmem:$0x1F9A0] =	vst v63  }
0xb8: {  	s8 =	sadd.s32 $0x9BF, s19  }
0xb9: {  	[tilespmem:s25], [sflag:$0x3] =	stream.linear.gather [hbm4b:s8+s4], $0x28, $0x38;
	[tilespmem:$0x1F9A0] =	vst v63  }
0xba: {  	_ =	swait.ge [sflag:s18], $0x28  }
0xbb: {  	s9 =	sadd.s32 $0xFFFFF646, s16;
	[sflag:s18] =	ssyncset.done $0x0  }
0xbc: {  	s7 =	sadd.s32 $0x9BF, s9;
	[sflag:s18] =	ssyncadd.s32 $0xFFFFFFD8  }
0xbd: {  	[tilespmem:s26], [sflag:$0x3] =	stream.linear.gather [hbm4b:s7+s4], $0x28, $0x38;
	[tilespmem:$0x1F9A0] =	vst v63  }
0xbe: {  	_ =	swait.ge [sflag:s18], $0x28  }
0xbf: {  	[sflag:s18] =	ssyncset.done $0x0  }
0xc0: {  	[sflag:s18] =	ssyncadd.s32 $0xFFFFFFD8  }
0xc1: {  	[tilespmem:s28], [sflag:$0x2] =	stream.indirect.gather [hbm4b:s5+s22], $0x44, s25, s22, $0xb8;
	[tilespmem:$0x1F9A0] =	vst v63  }
0xc2: {  	_ =	swait.ge [sflag:s29], $0xAA0  }
0xc3: {  	[sflag:s29] =	ssyncset.done $0x0  }
0xc4: {  	[sflag:s29] =	ssyncadd.s32 $0xFFFFF560  }
0xc5: {  	[spmem:s2] =	stream.indirect.scatter.add.f32 [tilespmem:s23], [sflag:$0x3], $0x44, s21, s22, $0xb8;
	[tilespmem:$0x1F9A0] =	vst v63  }
0xc6: {  	_ =	swait.ge [sflag:s18], $0xAA0  }
0xc7: {  	[sflag:s18] =	ssyncset.done $0x0  }
0xc8: {  	s1 =	sadd.s32 $0x9C4, s19;
	[sflag:s18] =	ssyncadd.s32 $0xFFFFF560  }
0xc9: {  	[tilespmem:s20], [sflag:$0x3] =	stream.linear.gather [hbm4b:s1+s4], $0x28, $0x38;
	[tilespmem:$0x1F9A0] =	vst v63  }
0xca: {  	_ =	swait.ge [sflag:s18], $0x28  }
0xcb: {  	[sflag:s18] =	ssyncset.done $0x0  }
0xcc: {  	s19 =	sadd.s32 $0x9C4, s9;
	[sflag:s18] =	ssyncadd.s32 $0xFFFFFFD8  }
0xcd: {  	[tilespmem:s21], [sflag:$0x3] =	stream.linear.gather [hbm4b:s19+s4], $0x28, $0x38;
	[tilespmem:$0x1F9A0] =	vst v63  }
0xce: {  	_ =	swait.ge [sflag:s18], $0x28  }
0xcf: {  	[sflag:s18] =	ssyncset.done $0x0  }
0xd0: {  	[sflag:s18] =	ssyncadd.s32 $0xFFFFFFD8  }
0xd1: {  	[tilespmem:s23], [sflag:$0x1] =	stream.indirect.gather [hbm4b:s5+s22], $0x44, s20, s22, $0xb8;
	[tilespmem:$0x1F9A0] =	vst v63  }
0xd2: {  	_ =	swait.ge [sflag:s30], $0xAA0  }
0xd3: {  	[sflag:s30] =	ssyncset.done $0x0  }
0xd4: {  	[sflag:s30] =	ssyncadd.s32 $0xFFFFF560  }
0xd5: {  	[spmem:s2] =	stream.indirect.scatter.add.f32 [tilespmem:s28], [sflag:$0x3], $0x44, s26, s22, $0xb8;
	[tilespmem:$0x1F9A0] =	vst v63  }
0xd6: {  	s3 =	simm.s32 $0xFFFFF650;
	_ =	swait.ge [sflag:s18], $0xAA0  }
0xd7: {  	s7 =	sadd.s32 $0xFFFFF650, s17;
	s1 =	simm.s32 $0xFFFFF65A;
	[sflag:s18] =	ssyncset.done $0x0  }
.LBB2_3:
0xd8: {  	s8 =	sadd.s32 $0x9BF, s7  }
0xd9: {  	[sflag:s18] =	ssyncadd.s32 $0xFFFFF560;
	s9 =	smov.u32 s1;
	s19 =	sadd.s32 $0xA, s1  }
0xda: {  	[tilespmem:s25], [sflag:$0x3] =	stream.linear.gather [hbm4b:s8+s4], $0x28, $0x38;
	[tilespmem:$0x1F9A0] =	vst v63  }
0xdb: {  	p1 =	seq.s32 s1, $0xFFFFFFF6;
	_ =	swait.ge [sflag:s18], $0x28  }
0xdc: {  	s1 =	sadd.s32 s3, s16;
	s3 =	smov.u32 s9;
	[sflag:s18] =	ssyncset.done $0x0  }
0xdd: {  	s8 =	sadd.s32 $0x9BF, s1;
	[sflag:s18] =	ssyncadd.s32 $0xFFFFFFD8  }
0xde: {  	[tilespmem:s26], [sflag:$0x3] =	stream.linear.gather [hbm4b:s8+s4], $0x28, $0x38;
	[tilespmem:$0x1F9A0] =	vst v63  }
0xdf: {  	_ =	swait.ge [sflag:s18], $0x28  }
0xe0: {  	[sflag:s18] =	ssyncset.done $0x0  }
0xe1: {  	[sflag:s18] =	ssyncadd.s32 $0xFFFFFFD8  }
0xe2: {  	[tilespmem:s28], [sflag:$0x2] =	stream.indirect.gather [hbm4b:s5+s22], $0x44, s25, s22, $0xb8;
	[tilespmem:$0x1F9A0] =	vst v63  }
0xe3: {  	_ =	swait.ge [sflag:s29], $0xAA0  }
0xe4: {  	[sflag:s29] =	ssyncset.done $0x0  }
0xe5: {  	[sflag:s29] =	ssyncadd.s32 $0xFFFFF560  }
0xe6: {  	[spmem:s2] =	stream.indirect.scatter.add.f32 [tilespmem:s23], [sflag:$0x3], $0x44, s21, s22, $0xb8;
	[tilespmem:$0x1F9A0] =	vst v63  }
0xe7: {  	_ =	swait.ge [sflag:s18], $0xAA0  }
0xe8: {  	[sflag:s18] =	ssyncset.done $0x0  }
0xe9: {  	s7 =	sadd.s32 $0x9C4, s7;
	[sflag:s18] =	ssyncadd.s32 $0xFFFFF560  }
0xea: {  	[tilespmem:s20], [sflag:$0x3] =	stream.linear.gather [hbm4b:s7+s4], $0x28, $0x38;
	[tilespmem:$0x1F9A0] =	vst v63  }
0xeb: {  	_ =	swait.ge [sflag:s18], $0x28  }
0xec: {  	[sflag:s18] =	ssyncset.done $0x0  }
0xed: {  	s1 =	sadd.s32 $0x9C4, s1;
	[sflag:s18] =	ssyncadd.s32 $0xFFFFFFD8  }
0xee: {  	[tilespmem:s21], [sflag:$0x3] =	stream.linear.gather [hbm4b:s1+s4], $0x28, $0x38;
	[tilespmem:$0x1F9A0] =	vst v63  }
0xef: {  	_ =	swait.ge [sflag:s18], $0x28  }
0xf0: {  	[sflag:s18] =	ssyncset.done $0x0  }
0xf1: {  	[sflag:s18] =	ssyncadd.s32 $0xFFFFFFD8  }
0xf2: {  	[tilespmem:s23], [sflag:$0x1] =	stream.indirect.gather [hbm4b:s5+s22], $0x44, s20, s22, $0xb8;
	[tilespmem:$0x1F9A0] =	vst v63  }
0xf3: {  	_ =	swait.ge [sflag:s30], $0xAA0  }
.Ltmp5:
0xf4: {  	[sflag:s30] =	ssyncset.done $0x0;
	(pc) =	sbr.rel @!p1 .LBB2_3-.Ltmp5, $4  }
0xf5: {  	[sflag:s30] =	ssyncadd.s32 $0xFFFFF560  }
0xf6: {  	[spmem:s2] =	stream.indirect.scatter.add.f32 [tilespmem:s28], [sflag:$0x3], $0x44, s26, s22, $0xb8;
	[tilespmem:$0x1F9A0] =	vst v63  }
0xf7: {  	_ =	swait.ge [sflag:s18], $0xAA0  }
0xf8: {  	s7 =	sadd.s32 s3, s17;
	s1 =	smov.u32 s19;
	[sflag:s18] =	ssyncset.done $0x0  }
0xf9: {  	s1 =	sadd.s32 $0x9BF, s7;
	[sflag:s18] =	ssyncadd.s32 $0xFFFFF560  }
0xfa: {  	[tilespmem:s25], [sflag:$0x3] =	stream.linear.gather [hbm4b:s1+s4], $0x28, $0x38;
	[tilespmem:$0x1F9A0] =	vst v63  }
0xfb: {  	_ =	swait.ge [sflag:s18], $0x28  }
0xfc: {  	s9 =	sadd.s32 s3, s16;
	[sflag:s18] =	ssyncset.done $0x0  }
0xfd: {  	s3 =	sadd.s32 $0x9BF, s9;
	[sflag:s18] =	ssyncadd.s32 $0xFFFFFFD8  }
0xfe: {  	[tilespmem:s26], [sflag:$0x3] =	stream.linear.gather [hbm4b:s3+s4], $0x28, $0x38;
	[tilespmem:$0x1F9A0] =	vst v63  }
0xff: {  	_ =	swait.ge [sflag:s18], $0x28  }
0x100: {  	[sflag:s18] =	ssyncset.done $0x0  }
0x101: {  	[sflag:s18] =	ssyncadd.s32 $0xFFFFFFD8  }
0x102: {  	[tilespmem:s28], [sflag:$0x2] =	stream.indirect.gather [hbm4b:s5+s22], $0x44, s25, s22, $0xb8;
	[tilespmem:$0x1F9A0] =	vst v63  }
0x103: {  	_ =	swait.ge [sflag:s29], $0xAA0  }
0x104: {  	[sflag:s29] =	ssyncset.done $0x0  }
0x105: {  	[sflag:s29] =	ssyncadd.s32 $0xFFFFF560  }
0x106: {  	[spmem:s2] =	stream.indirect.scatter.add.f32 [tilespmem:s23], [sflag:$0x3], $0x44, s21, s22, $0xb8;
	[tilespmem:$0x1F9A0] =	vst v63  }
0x107: {  	_ =	swait.ge [sflag:s18], $0xAA0  }
0x108: {  	[sflag:s18] =	ssyncset.done $0x0  }
0x109: {  	s19 =	sadd.s32 $0x9C4, s7;
	[sflag:s18] =	ssyncadd.s32 $0xFFFFF560  }
0x10a: {  	[tilespmem:s20], [sflag:$0x3] =	stream.linear.gather [hbm4b:s19+s4], $0x28, $0x38;
	[tilespmem:$0x1F9A0] =	vst v63  }
0x10b: {  	_ =	swait.ge [sflag:s18], $0x28  }
0x10c: {  	[sflag:s18] =	ssyncset.done $0x0  }
0x10d: {  	s1 =	sadd.s32 $0x9C4, s9;
	[sflag:s18] =	ssyncadd.s32 $0xFFFFFFD8  }
0x10e: {  	[tilespmem:s21], [sflag:$0x3] =	stream.linear.gather [hbm4b:s1+s4], $0x28, $0x38;
	[tilespmem:$0x1F9A0] =	vst v63  }
0x10f: {  	_ =	swait.ge [sflag:s18], $0x28  }
0x110: {  	[sflag:s18] =	ssyncset.done $0x0  }
0x111: {  	[sflag:s18] =	ssyncadd.s32 $0xFFFFFFD8  }
0x112: {  	[tilespmem:s23], [sflag:$0x1] =	stream.indirect.gather [hbm4b:s5+s22], $0x44, s20, s22, $0xb8;
	[tilespmem:$0x1F9A0] =	vst v63  }
0x113: {  	_ =	swait.ge [sflag:s30], $0xAA0  }
0x114: {  	[sflag:s30] =	ssyncset.done $0x0  }
.Ltmp6:
0x115: {  	[sflag:s30] =	ssyncadd.s32 $0xFFFFF560;
	(pc) =	sbr.rel .LBB2_8-.Ltmp6, $4  }
0x116: {  	[spmem:s2] =	stream.indirect.scatter.add.f32 [tilespmem:s28], [sflag:$0x3], $0x44, s26, s22, $0xb8;
	[tilespmem:$0x1F9A0] =	vst v63  }
0x117: {  	_ =	swait.ge [sflag:s18], $0xAA0  }
0x118: {  	[sflag:s18] =	ssyncset.done $0x0  }
0x119: {  	s1 =	smov.u32 s5;
	[sflag:s18] =	ssyncadd.s32 $0xFFFFF560  }
.LBB2_9:
0x11a: {  	_ =	sfence.sel $0x180000  }
0x11b: {  	[bflag:$0x0] =	sbarrier.arrive $0xFFFF  }
0x11c: {  	_ =	strace $0x90000047  }
0x11d: {  	s0 =	stileid.u32;
	[bflag:$0x2] =	sbarrier.arrive $0xFFFF  }
0x11e: {  	p0 =	sne.s32 s0, $0x0;
	s0 =	rddreg [dreg:$0x3]  }
0x11f: {  	s0 =	sadd.s32 @!p0 $0x100000, s0  }
0x120: {  	[sflag:s0] =	ssyncadd.tile.s32 @!p0 $0x1;
	_ =	shalt  }
.Lfunc_end2:
_tile_overlayer_lowered:
.L_overlay_start_2:
0x121: {  	(tag) =	ssettag $0x2  }
0x122: {  	s0 =	rddreg [dreg:$0x0];
	s2 =	stileid.u32  }
0x123: {  	s1 =	rddreg [dreg:$0x1];
	p0 =	sne.s32 s2, $0x0  }
0x124: {  	s3 =	rddreg [dreg:$0x2];
	[bflag:$0x3] =	sbarrier.arrive $0xFFFF;
	s2 =	simm.s32 @!p0 $0x1C03  }
0x125: {  	[timem:s3], [sflag:s2] =	dma.local @!p0 [hbm:s0], s1  }
0x126: {  	s0 =	simm.s32 @!p0 $0x3  }
0x127: {  	_ =	swait.ge @!p0 [sflag:s0], s1  }
0x128: {  	s1 =	ssub.s32 @!p0 $0x0, s1;
	[sflag:s0] =	ssyncset.done @!p0 $0x0  }
0x129: {  	[sflag:s0] =	ssyncadd.s32 @!p0 s1  }
0x12a: {  	[bflag:$0x3] =	sbarrier.arrive $0xFFFF  }
0x12b: {  	_ =	shalt  }

</sc_bundles>
